<compile_context>
chip_gen: v7x
topology: tpu7x:2x2x1
jax: 0.10.2.dev20260603
libtpu: 0.0.44.dev20260713+nightly
codegen_flags: <defaults>
</compile_context>

<pallas_src>
import functools

import jax
import jax.numpy as jnp
from jax import lax
from jax.experimental import pallas as pl
from jax.experimental.pallas import tpu as pltpu
from jax.experimental.pallas import tpu_sc as plsc

_PROB = 0.5
_CHUNK = 64


@functools.lru_cache(maxsize=None)
def _gather_fn(batch, rows, keep1, d, n_chunks):
    info = plsc.get_sparse_core_info()
    nc = info.num_cores
    mesh = plsc.VectorSubcoreMesh(core_axis_name="c", subcore_axis_name="s")

    @functools.partial(
        pl.kernel,
        mesh=mesh,
        out_type=jax.ShapeDtypeStruct((batch, keep1, d), jnp.float32),
        scratch_types=[
            pltpu.VMEM((n_chunks, _CHUNK), jnp.int32),
            pltpu.VMEM((n_chunks, _CHUNK), jnp.int32),
            pltpu.VMEM((_CHUNK, d), jnp.float32),
            pltpu.VMEM((_CHUNK, d), jnp.float32),
            pltpu.SemaphoreType.DMA,
            pltpu.SemaphoreType.DMA,
            pltpu.SemaphoreType.DMA,
            pltpu.SemaphoreType.DMA,
        ],
        compiler_params=pltpu.CompilerParams(use_tc_tiling_on_sc=True),
    )
    def gk(x_hbm, gi_hbm, pos_hbm, out_hbm,
           gi_v, pos_v, buf0, buf1, gs0, gs1, ws0, ws1):
        w = lax.axis_index("s") * nc + lax.axis_index("c")
        pltpu.sync_copy(gi_hbm.at[w], gi_v)
        pltpu.sync_copy(pos_hbm, pos_v)

        bufs = (buf0, buf1)
        gsem = (gs0, gs1)
        wsem = (ws0, ws1)
        g = [None] * n_chunks
        s = [None] * n_chunks

        def gather(c):
            b = c & 1
            g[c] = pltpu.async_copy(
                x_hbm.at[w].at[gi_v.at[c]], bufs[b], gsem[b])

        def scatter(c):
            b = c & 1
            g[c].wait()
            s[c] = pltpu.async_copy(
                bufs[b], out_hbm.at[w].at[pos_v.at[c]], wsem[b])

        for c in range(n_chunks):
            if c >= 2:
                s[c - 2].wait()
            gather(c)
            if c >= 1:
                scatter(c - 1)
        scatter(n_chunks - 1)
        s[n_chunks - 2].wait()
        s[n_chunks - 1].wait()

    return gk


def kernel(x, B, T):
    batch, rows, d = x.shape
    n = rows - 1
    keep = max(1, int(n * (1.0 - _PROB)))
    rand = jax.random.normal(jax.random.key(42), (8, n), dtype=jnp.float32)
    _, top = jax.lax.top_k(rand, keep)
    fold = (B - 8) + (T - 4)
    tok = top + (fold + 1)
    full = jnp.concatenate(
        [jnp.zeros((8, 1), tok.dtype), tok], axis=1)
    rep = jnp.repeat(full, 4, axis=0)
    keep1 = keep + 1
    n_chunks = -(-keep1 // _CHUNK)
    padded = n_chunks * _CHUNK
    gi = jnp.pad(rep.astype(jnp.int32), ((0, 0), (0, padded - keep1)))
    gi = gi.reshape(batch, n_chunks, _CHUNK)
    pos = jnp.pad(jnp.arange(keep1, dtype=jnp.int32), (0, padded - keep1))
    pos = pos.reshape(n_chunks, _CHUNK)
    return _gather_fn(batch, rows, keep1, d, n_chunks)(x, gi, pos)

# --- scband reference (transcript-rebuilt; emitter-appended) ---
"""Pipeline reference for scband-patch-dropout-16784732193128 (READ-ONLY COPY).

The authoritative reference and input builder live on the scoring server;
editing this copy changes nothing except your own understanding.
"""

import jax, jax.numpy as jnp
import numpy as np

PROB = 0.5
EXCLUDE_FIRST_TOKEN = True


def setup_inputs(seed: int = 0) -> dict:
    key = jax.random.key(seed)
    x = jax.random.normal(key, (32, 577, 768), dtype=jnp.float32)
    return {"x": x, "B": 8, "T": 4}


def reference(x, B, T):
    # training=True path of PatchDropout
    if EXCLUDE_FIRST_TOKEN:
        cls_tokens = x[:, :1]
        xr = x[:, 1:]
    else:
        cls_tokens = x[:, :1]
        xr = x
    batch = xr.shape[0]
    num_tokens = xr.shape[1]
    keep_prob = 1.0 - PROB
    num_patches_keep = max(1, int(num_tokens * keep_prob))
    rkey = jax.random.key(42)
    B_static = 8
    T_static = 4
    fold = (B - B_static) + (T - T_static)
    rand = jax.random.normal(rkey, (B_static, num_tokens), dtype=jnp.float32)
    _, patch_indices_keep = jax.lax.top_k(rand, num_patches_keep)
    # unsqueeze(1).repeat(1, T, 1) then (b t) n
    patch_indices_keep = jnp.repeat(patch_indices_keep[:, None, :], T_static, axis=1)
    patch_indices_keep = patch_indices_keep.reshape(B_static * T_static, num_patches_keep)
    patch_indices_keep = patch_indices_keep + fold
    batch_indices = jnp.arange(batch)[:, None]
    xk = xr[batch_indices, patch_indices_keep]
    if EXCLUDE_FIRST_TOKEN:
        out = jnp.concatenate([cls_tokens, xk], axis=1)
    else:
        out = xk
    return out

if __name__ == "__main__":
    import jax
    _d = setup_inputs()
    print(jax.jit(kernel)(*tuple(_d.values())))

</pallas_src>

<mosaic_0001>
#map = affine_map<(d0, d1) -> (0, 0, 0)>
#map1 = affine_map<(d0, d1) -> (0, 0)>
module attributes {stable_mosaic.version = 14 : i64} {
  func.func @gk(%arg0: i32, %arg1: i32, %arg2: memref<32x577x768xf32, #tpu.memory_space<hbm>>, %arg3: memref<32x5x64xi32, #tpu.memory_space<hbm>>, %arg4: memref<5x64xi32, #tpu.memory_space<hbm>>, %arg5: memref<32x289x768xf32, #tpu.memory_space<hbm>>, %arg6: memref<5x64xi32, #tpu.memory_space<vmem>>, %arg7: memref<5x64xi32, #tpu.memory_space<vmem>>, %arg8: memref<64x768xf32, #tpu.memory_space<vmem>>, %arg9: memref<64x768xf32, #tpu.memory_space<vmem>>, %arg10: memref<!tpu.dma_semaphore, #tpu.memory_space<semaphore_mem>>, %arg11: memref<!tpu.dma_semaphore, #tpu.memory_space<semaphore_mem>>, %arg12: memref<!tpu.dma_semaphore, #tpu.memory_space<semaphore_mem>>, %arg13: memref<!tpu.dma_semaphore, #tpu.memory_space<semaphore_mem>>) attributes {dimension_semantics = [#tpu.dimension_semantics<core_parallel>, #tpu.dimension_semantics<subcore_parallel>], iteration_bounds = array<i64: 2, 16>, scalar_prefetch = 0 : i64, scratch_operands = 8 : i64, tpu.core_type = #tpu.core_type<sc_vector_subcore>, window_params = [{transform_indices = #map}, {transform_indices = #map}, {transform_indices = #map1}, {transform_indices = #map}]} {
    %mul3A = arith.constant 2 : i32
    %mul3A_0 = arith.muli %arg1, %mul3A : i32
    %add3A = arith.addi %mul3A_0, %arg0 : i32
    "tpu.region"() ({
      %run_scoped3A = tpu.sem_alloc : memref<!tpu.dma_semaphore, #tpu.memory_space<semaphore_mem>>
      %dma_start3A_219 = arith.constant 0 : i32
      %dma_start3A_220 = arith.constant 0 : i32
      %dma_start3A_221 = tpu.memref_slice %arg3[%add3A, %dma_start3A_219, %dma_start3A_220] : memref<32x5x64xi32, #tpu.memory_space<hbm>> -> memref<1x5x64xi32, #tpu.memory_space<hbm>>
      %dma_start3A_222 = tpu.memref_squeeze %dma_start3A_221 : memref<1x5x64xi32, #tpu.memory_space<hbm>> -> memref<5x64xi32, #tpu.memory_space<hbm>>
      %dma_start3A_223 = arith.constant 0 : i32
      %dma_start3A_224 = arith.constant 0 : i32
      %dma_start3A_225 = tpu.memref_slice %arg3[%add3A, %dma_start3A_223, %dma_start3A_224] : memref<32x5x64xi32, #tpu.memory_space<hbm>> -> memref<1x5x64xi32, #tpu.memory_space<hbm>>
      %dma_start3A_226 = tpu.memref_squeeze %dma_start3A_225 : memref<1x5x64xi32, #tpu.memory_space<hbm>> -> memref<5x64xi32, #tpu.memory_space<hbm>>
      tpu.enqueue_dma source(%dma_start3A_226 : memref<5x64xi32, #tpu.memory_space<hbm>>) target(%arg6 : memref<5x64xi32, #tpu.memory_space<vmem>>) target_semaphore(%run_scoped3A : memref<!tpu.dma_semaphore, #tpu.memory_space<semaphore_mem>>)
      %dma_wait3A_227 = arith.constant 0 : i32
      %dma_wait3A_228 = arith.constant 0 : i32
      %dma_wait3A_229 = tpu.memref_slice %arg3[%add3A, %dma_wait3A_227, %dma_wait3A_228] : memref<32x5x64xi32, #tpu.memory_space<hbm>> -> memref<1x5x64xi32, #tpu.memory_space<hbm>>
      %dma_wait3A_230 = tpu.memref_squeeze %dma_wait3A_229 : memref<1x5x64xi32, #tpu.memory_space<hbm>> -> memref<5x64xi32, #tpu.memory_space<hbm>>
      %dma_wait3A_231 = arith.constant 0 : i32
      %dma_wait3A_232 = arith.constant 0 : i32
      %dma_wait3A_233 = tpu.memref_slice %arg3[%add3A, %dma_wait3A_231, %dma_wait3A_232] : memref<32x5x64xi32, #tpu.memory_space<hbm>> -> memref<1x5x64xi32, #tpu.memory_space<hbm>>
      %dma_wait3A_234 = tpu.memref_squeeze %dma_wait3A_233 : memref<1x5x64xi32, #tpu.memory_space<hbm>> -> memref<5x64xi32, #tpu.memory_space<hbm>>
      tpu.wait_dma2 semaphore(%run_scoped3A : memref<!tpu.dma_semaphore, #tpu.memory_space<semaphore_mem>>) src(%dma_wait3A_234 : memref<5x64xi32, #tpu.memory_space<hbm>>) dst(%arg6 : memref<5x64xi32, #tpu.memory_space<vmem>>)
      tpu.yield
    }) : () -> ()
    "tpu.region"() ({
      %run_scoped3A = tpu.sem_alloc : memref<!tpu.dma_semaphore, #tpu.memory_space<semaphore_mem>>
      tpu.enqueue_dma source(%arg4 : memref<5x64xi32, #tpu.memory_space<hbm>>) target(%arg7 : memref<5x64xi32, #tpu.memory_space<vmem>>) target_semaphore(%run_scoped3A : memref<!tpu.dma_semaphore, #tpu.memory_space<semaphore_mem>>)
      tpu.wait_dma2 semaphore(%run_scoped3A : memref<!tpu.dma_semaphore, #tpu.memory_space<semaphore_mem>>) src(%arg4 : memref<5x64xi32, #tpu.memory_space<hbm>>) dst(%arg7 : memref<5x64xi32, #tpu.memory_space<vmem>>)
      tpu.yield
    }) : () -> ()
    %dma_start3A = arith.constant 0 : i32
    %dma_start3A_1 = arith.constant 0 : i32
    %dma_start3A_2 = tpu.memref_slice %arg6[%dma_start3A, %dma_start3A_1] : memref<5x64xi32, #tpu.memory_space<vmem>> -> memref<1x64xi32, #tpu.memory_space<vmem>>
    %dma_start3A_3 = tpu.memref_squeeze %dma_start3A_2 : memref<1x64xi32, #tpu.memory_space<vmem>> -> memref<64xi32, #tpu.memory_space<vmem>>
    %dma_start3A_4 = arith.constant 0 : i32
    %dma_start3A_5 = arith.constant 0 : i32
    %dma_start3A_6 = tpu.memref_slice %arg2[%add3A, %dma_start3A_4, %dma_start3A_5] : memref<32x577x768xf32, #tpu.memory_space<hbm>> -> memref<1x577x768xf32, #tpu.memory_space<hbm>>
    %dma_start3A_7 = tpu.memref_squeeze %dma_start3A_6 : memref<1x577x768xf32, #tpu.memory_space<hbm>> -> memref<577x768xf32, #tpu.memory_space<hbm>>
    %dma_start3A_8 = arith.constant 0 : i32
    %dma_start3A_9 = arith.constant 0 : i32
    %dma_start3A_10 = tpu.memref_slice %dma_start3A_7[%dma_start3A_8, %dma_start3A_9] : memref<577x768xf32, #tpu.memory_space<hbm>> -> memref<577x768xf32, #tpu.memory_space<hbm>>
    tpu.enqueue_indirect_dma source(%dma_start3A_10 : memref<577x768xf32, #tpu.memory_space<hbm>>) target(%arg8 : memref<64x768xf32, #tpu.memory_space<vmem>>) offsets(%dma_start3A_3 : memref<64xi32, #tpu.memory_space<vmem>>) semaphore(%arg10 : memref<!tpu.dma_semaphore, #tpu.memory_space<semaphore_mem>>)
    %dma_start3A_11 = arith.constant 1 : i32
    %dma_start3A_12 = arith.constant 0 : i32
    %dma_start3A_13 = tpu.memref_slice %arg6[%dma_start3A_11, %dma_start3A_12] : memref<5x64xi32, #tpu.memory_space<vmem>> -> memref<1x64xi32, #tpu.memory_space<vmem>>
    %dma_start3A_14 = tpu.memref_squeeze %dma_start3A_13 : memref<1x64xi32, #tpu.memory_space<vmem>> -> memref<64xi32, #tpu.memory_space<vmem>>
    %dma_start3A_15 = arith.constant 0 : i32
    %dma_start3A_16 = arith.constant 0 : i32
    %dma_start3A_17 = tpu.memref_slice %arg2[%add3A, %dma_start3A_15, %dma_start3A_16] : memref<32x577x768xf32, #tpu.memory_space<hbm>> -> memref<1x577x768xf32, #tpu.memory_space<hbm>>
    %dma_start3A_18 = tpu.memref_squeeze %dma_start3A_17 : memref<1x577x768xf32, #tpu.memory_space<hbm>> -> memref<577x768xf32, #tpu.memory_space<hbm>>
    %dma_start3A_19 = arith.constant 0 : i32
    %dma_start3A_20 = arith.constant 0 : i32
    %dma_start3A_21 = tpu.memref_slice %dma_start3A_18[%dma_start3A_19, %dma_start3A_20] : memref<577x768xf32, #tpu.memory_space<hbm>> -> memref<577x768xf32, #tpu.memory_space<hbm>>
    tpu.enqueue_indirect_dma source(%dma_start3A_21 : memref<577x768xf32, #tpu.memory_space<hbm>>) target(%arg9 : memref<64x768xf32, #tpu.memory_space<vmem>>) offsets(%dma_start3A_14 : memref<64xi32, #tpu.memory_space<vmem>>) semaphore(%arg11 : memref<!tpu.dma_semaphore, #tpu.memory_space<semaphore_mem>>)
    %dma_wait3A = arith.constant 0 : i32
    %dma_wait3A_22 = arith.constant 0 : i32
    %dma_wait3A_23 = tpu.memref_slice %arg6[%dma_wait3A, %dma_wait3A_22] : memref<5x64xi32, #tpu.memory_space<vmem>> -> memref<1x64xi32, #tpu.memory_space<vmem>>
    %dma_wait3A_24 = tpu.memref_squeeze %dma_wait3A_23 : memref<1x64xi32, #tpu.memory_space<vmem>> -> memref<64xi32, #tpu.memory_space<vmem>>
    %dma_wait3A_25 = arith.constant 0 : i32
    %dma_wait3A_26 = arith.constant 0 : i32
    %dma_wait3A_27 = tpu.memref_slice %arg2[%add3A, %dma_wait3A_25, %dma_wait3A_26] : memref<32x577x768xf32, #tpu.memory_space<hbm>> -> memref<1x577x768xf32, #tpu.memory_space<hbm>>
    %dma_wait3A_28 = tpu.memref_squeeze %dma_wait3A_27 : memref<1x577x768xf32, #tpu.memory_space<hbm>> -> memref<577x768xf32, #tpu.memory_space<hbm>>
    %dma_wait3A_29 = arith.constant 0 : i32
    %dma_wait3A_30 = arith.constant 0 : i32
    %dma_wait3A_31 = tpu.memref_slice %dma_wait3A_28[%dma_wait3A_29, %dma_wait3A_30] : memref<577x768xf32, #tpu.memory_space<hbm>> -> memref<577x768xf32, #tpu.memory_space<hbm>>
    tpu.wait_indirect_dma semaphore(%arg10 : memref<!tpu.dma_semaphore, #tpu.memory_space<semaphore_mem>>) src(%dma_wait3A_31 : memref<577x768xf32, #tpu.memory_space<hbm>>) dst(%arg8 : memref<64x768xf32, #tpu.memory_space<vmem>>)
    %dma_start3A_32 = arith.constant 0 : i32
    %dma_start3A_33 = arith.constant 0 : i32
    %dma_start3A_34 = tpu.memref_slice %arg7[%dma_start3A_32, %dma_start3A_33] : memref<5x64xi32, #tpu.memory_space<vmem>> -> memref<1x64xi32, #tpu.memory_space<vmem>>
    %dma_start3A_35 = tpu.memref_squeeze %dma_start3A_34 : memref<1x64xi32, #tpu.memory_space<vmem>> -> memref<64xi32, #tpu.memory_space<vmem>>
    %dma_start3A_36 = arith.constant 0 : i32
    %dma_start3A_37 = arith.constant 0 : i32
    %dma_start3A_38 = tpu.memref_slice %arg5[%add3A, %dma_start3A_36, %dma_start3A_37] : memref<32x289x768xf32, #tpu.memory_space<hbm>> -> memref<1x289x768xf32, #tpu.memory_space<hbm>>
    %dma_start3A_39 = tpu.memref_squeeze %dma_start3A_38 : memref<1x289x768xf32, #tpu.memory_space<hbm>> -> memref<289x768xf32, #tpu.memory_space<hbm>>
    %dma_start3A_40 = arith.constant 0 : i32
    %dma_start3A_41 = arith.constant 0 : i32
    %dma_start3A_42 = tpu.memref_slice %dma_start3A_39[%dma_start3A_40, %dma_start3A_41] : memref<289x768xf32, #tpu.memory_space<hbm>> -> memref<289x768xf32, #tpu.memory_space<hbm>>
    tpu.enqueue_indirect_dma source(%arg8 : memref<64x768xf32, #tpu.memory_space<vmem>>) target(%dma_start3A_42 : memref<289x768xf32, #tpu.memory_space<hbm>>) offsets(%dma_start3A_35 : memref<64xi32, #tpu.memory_space<vmem>>) semaphore(%arg12 : memref<!tpu.dma_semaphore, #tpu.memory_space<semaphore_mem>>)
    %dma_wait3A_43 = arith.constant 0 : i32
    %dma_wait3A_44 = arith.constant 0 : i32
    %dma_wait3A_45 = tpu.memref_slice %arg7[%dma_wait3A_43, %dma_wait3A_44] : memref<5x64xi32, #tpu.memory_space<vmem>> -> memref<1x64xi32, #tpu.memory_space<vmem>>
    %dma_wait3A_46 = tpu.memref_squeeze %dma_wait3A_45 : memref<1x64xi32, #tpu.memory_space<vmem>> -> memref<64xi32, #tpu.memory_space<vmem>>
    %dma_wait3A_47 = arith.constant 0 : i32
    %dma_wait3A_48 = arith.constant 0 : i32
    %dma_wait3A_49 = tpu.memref_slice %arg5[%add3A, %dma_wait3A_47, %dma_wait3A_48] : memref<32x289x768xf32, #tpu.memory_space<hbm>> -> memref<1x289x768xf32, #tpu.memory_space<hbm>>
    %dma_wait3A_50 = tpu.memref_squeeze %dma_wait3A_49 : memref<1x289x768xf32, #tpu.memory_space<hbm>> -> memref<289x768xf32, #tpu.memory_space<hbm>>
    %dma_wait3A_51 = arith.constant 0 : i32
    %dma_wait3A_52 = arith.constant 0 : i32
    %dma_wait3A_53 = tpu.memref_slice %dma_wait3A_50[%dma_wait3A_51, %dma_wait3A_52] : memref<289x768xf32, #tpu.memory_space<hbm>> -> memref<289x768xf32, #tpu.memory_space<hbm>>
    tpu.wait_indirect_dma semaphore(%arg12 : memref<!tpu.dma_semaphore, #tpu.memory_space<semaphore_mem>>) src(%arg8 : memref<64x768xf32, #tpu.memory_space<vmem>>) dst(%dma_wait3A_53 : memref<289x768xf32, #tpu.memory_space<hbm>>)
    %dma_start3A_54 = arith.constant 2 : i32
    %dma_start3A_55 = arith.constant 0 : i32
    %dma_start3A_56 = tpu.memref_slice %arg6[%dma_start3A_54, %dma_start3A_55] : memref<5x64xi32, #tpu.memory_space<vmem>> -> memref<1x64xi32, #tpu.memory_space<vmem>>
    %dma_start3A_57 = tpu.memref_squeeze %dma_start3A_56 : memref<1x64xi32, #tpu.memory_space<vmem>> -> memref<64xi32, #tpu.memory_space<vmem>>
    %dma_start3A_58 = arith.constant 0 : i32
    %dma_start3A_59 = arith.constant 0 : i32
    %dma_start3A_60 = tpu.memref_slice %arg2[%add3A, %dma_start3A_58, %dma_start3A_59] : memref<32x577x768xf32, #tpu.memory_space<hbm>> -> memref<1x577x768xf32, #tpu.memory_space<hbm>>
    %dma_start3A_61 = tpu.memref_squeeze %dma_start3A_60 : memref<1x577x768xf32, #tpu.memory_space<hbm>> -> memref<577x768xf32, #tpu.memory_space<hbm>>
    %dma_start3A_62 = arith.constant 0 : i32
    %dma_start3A_63 = arith.constant 0 : i32
    %dma_start3A_64 = tpu.memref_slice %dma_start3A_61[%dma_start3A_62, %dma_start3A_63] : memref<577x768xf32, #tpu.memory_space<hbm>> -> memref<577x768xf32, #tpu.memory_space<hbm>>
    tpu.enqueue_indirect_dma source(%dma_start3A_64 : memref<577x768xf32, #tpu.memory_space<hbm>>) target(%arg8 : memref<64x768xf32, #tpu.memory_space<vmem>>) offsets(%dma_start3A_57 : memref<64xi32, #tpu.memory_space<vmem>>) semaphore(%arg10 : memref<!tpu.dma_semaphore, #tpu.memory_space<semaphore_mem>>)
    %dma_wait3A_65 = arith.constant 1 : i32
    %dma_wait3A_66 = arith.constant 0 : i32
    %dma_wait3A_67 = tpu.memref_slice %arg6[%dma_wait3A_65, %dma_wait3A_66] : memref<5x64xi32, #tpu.memory_space<vmem>> -> memref<1x64xi32, #tpu.memory_space<vmem>>
    %dma_wait3A_68 = tpu.memref_squeeze %dma_wait3A_67 : memref<1x64xi32, #tpu.memory_space<vmem>> -> memref<64xi32, #tpu.memory_space<vmem>>
    %dma_wait3A_69 = arith.constant 0 : i32
    %dma_wait3A_70 = arith.constant 0 : i32
    %dma_wait3A_71 = tpu.memref_slice %arg2[%add3A, %dma_wait3A_69, %dma_wait3A_70] : memref<32x577x768xf32, #tpu.memory_space<hbm>> -> memref<1x577x768xf32, #tpu.memory_space<hbm>>
    %dma_wait3A_72 = tpu.memref_squeeze %dma_wait3A_71 : memref<1x577x768xf32, #tpu.memory_space<hbm>> -> memref<577x768xf32, #tpu.memory_space<hbm>>
    %dma_wait3A_73 = arith.constant 0 : i32
    %dma_wait3A_74 = arith.constant 0 : i32
    %dma_wait3A_75 = tpu.memref_slice %dma_wait3A_72[%dma_wait3A_73, %dma_wait3A_74] : memref<577x768xf32, #tpu.memory_space<hbm>> -> memref<577x768xf32, #tpu.memory_space<hbm>>
    tpu.wait_indirect_dma semaphore(%arg11 : memref<!tpu.dma_semaphore, #tpu.memory_space<semaphore_mem>>) src(%dma_wait3A_75 : memref<577x768xf32, #tpu.memory_space<hbm>>) dst(%arg9 : memref<64x768xf32, #tpu.memory_space<vmem>>)
    %dma_start3A_76 = arith.constant 1 : i32
    %dma_start3A_77 = arith.constant 0 : i32
    %dma_start3A_78 = tpu.memref_slice %arg7[%dma_start3A_76, %dma_start3A_77] : memref<5x64xi32, #tpu.memory_space<vmem>> -> memref<1x64xi32, #tpu.memory_space<vmem>>
    %dma_start3A_79 = tpu.memref_squeeze %dma_start3A_78 : memref<1x64xi32, #tpu.memory_space<vmem>> -> memref<64xi32, #tpu.memory_space<vmem>>
    %dma_start3A_80 = arith.constant 0 : i32
    %dma_start3A_81 = arith.constant 0 : i32
    %dma_start3A_82 = tpu.memref_slice %arg5[%add3A, %dma_start3A_80, %dma_start3A_81] : memref<32x289x768xf32, #tpu.memory_space<hbm>> -> memref<1x289x768xf32, #tpu.memory_space<hbm>>
    %dma_start3A_83 = tpu.memref_squeeze %dma_start3A_82 : memref<1x289x768xf32, #tpu.memory_space<hbm>> -> memref<289x768xf32, #tpu.memory_space<hbm>>
    %dma_start3A_84 = arith.constant 0 : i32
    %dma_start3A_85 = arith.constant 0 : i32
    %dma_start3A_86 = tpu.memref_slice %dma_start3A_83[%dma_start3A_84, %dma_start3A_85] : memref<289x768xf32, #tpu.memory_space<hbm>> -> memref<289x768xf32, #tpu.memory_space<hbm>>
    tpu.enqueue_indirect_dma source(%arg9 : memref<64x768xf32, #tpu.memory_space<vmem>>) target(%dma_start3A_86 : memref<289x768xf32, #tpu.memory_space<hbm>>) offsets(%dma_start3A_79 : memref<64xi32, #tpu.memory_space<vmem>>) semaphore(%arg13 : memref<!tpu.dma_semaphore, #tpu.memory_space<semaphore_mem>>)
    %dma_wait3A_87 = arith.constant 1 : i32
    %dma_wait3A_88 = arith.constant 0 : i32
    %dma_wait3A_89 = tpu.memref_slice %arg7[%dma_wait3A_87, %dma_wait3A_88] : memref<5x64xi32, #tpu.memory_space<vmem>> -> memref<1x64xi32, #tpu.memory_space<vmem>>
    %dma_wait3A_90 = tpu.memref_squeeze %dma_wait3A_89 : memref<1x64xi32, #tpu.memory_space<vmem>> -> memref<64xi32, #tpu.memory_space<vmem>>
    %dma_wait3A_91 = arith.constant 0 : i32
    %dma_wait3A_92 = arith.constant 0 : i32
    %dma_wait3A_93 = tpu.memref_slice %arg5[%add3A, %dma_wait3A_91, %dma_wait3A_92] : memref<32x289x768xf32, #tpu.memory_space<hbm>> -> memref<1x289x768xf32, #tpu.memory_space<hbm>>
    %dma_wait3A_94 = tpu.memref_squeeze %dma_wait3A_93 : memref<1x289x768xf32, #tpu.memory_space<hbm>> -> memref<289x768xf32, #tpu.memory_space<hbm>>
    %dma_wait3A_95 = arith.constant 0 : i32
    %dma_wait3A_96 = arith.constant 0 : i32
    %dma_wait3A_97 = tpu.memref_slice %dma_wait3A_94[%dma_wait3A_95, %dma_wait3A_96] : memref<289x768xf32, #tpu.memory_space<hbm>> -> memref<289x768xf32, #tpu.memory_space<hbm>>
    tpu.wait_indirect_dma semaphore(%arg13 : memref<!tpu.dma_semaphore, #tpu.memory_space<semaphore_mem>>) src(%arg9 : memref<64x768xf32, #tpu.memory_space<vmem>>) dst(%dma_wait3A_97 : memref<289x768xf32, #tpu.memory_space<hbm>>)
    %dma_start3A_98 = arith.constant 3 : i32
    %dma_start3A_99 = arith.constant 0 : i32
    %dma_start3A_100 = tpu.memref_slice %arg6[%dma_start3A_98, %dma_start3A_99] : memref<5x64xi32, #tpu.memory_space<vmem>> -> memref<1x64xi32, #tpu.memory_space<vmem>>
    %dma_start3A_101 = tpu.memref_squeeze %dma_start3A_100 : memref<1x64xi32, #tpu.memory_space<vmem>> -> memref<64xi32, #tpu.memory_space<vmem>>
    %dma_start3A_102 = arith.constant 0 : i32
    %dma_start3A_103 = arith.constant 0 : i32
    %dma_start3A_104 = tpu.memref_slice %arg2[%add3A, %dma_start3A_102, %dma_start3A_103] : memref<32x577x768xf32, #tpu.memory_space<hbm>> -> memref<1x577x768xf32, #tpu.memory_space<hbm>>
    %dma_start3A_105 = tpu.memref_squeeze %dma_start3A_104 : memref<1x577x768xf32, #tpu.memory_space<hbm>> -> memref<577x768xf32, #tpu.memory_space<hbm>>
    %dma_start3A_106 = arith.constant 0 : i32
    %dma_start3A_107 = arith.constant 0 : i32
    %dma_start3A_108 = tpu.memref_slice %dma_start3A_105[%dma_start3A_106, %dma_start3A_107] : memref<577x768xf32, #tpu.memory_space<hbm>> -> memref<577x768xf32, #tpu.memory_space<hbm>>
    tpu.enqueue_indirect_dma source(%dma_start3A_108 : memref<577x768xf32, #tpu.memory_space<hbm>>) target(%arg9 : memref<64x768xf32, #tpu.memory_space<vmem>>) offsets(%dma_start3A_101 : memref<64xi32, #tpu.memory_space<vmem>>) semaphore(%arg11 : memref<!tpu.dma_semaphore, #tpu.memory_space<semaphore_mem>>)
    %dma_wait3A_109 = arith.constant 2 : i32
    %dma_wait3A_110 = arith.constant 0 : i32
    %dma_wait3A_111 = tpu.memref_slice %arg6[%dma_wait3A_109, %dma_wait3A_110] : memref<5x64xi32, #tpu.memory_space<vmem>> -> memref<1x64xi32, #tpu.memory_space<vmem>>
    %dma_wait3A_112 = tpu.memref_squeeze %dma_wait3A_111 : memref<1x64xi32, #tpu.memory_space<vmem>> -> memref<64xi32, #tpu.memory_space<vmem>>
    %dma_wait3A_113 = arith.constant 0 : i32
    %dma_wait3A_114 = arith.constant 0 : i32
    %dma_wait3A_115 = tpu.memref_slice %arg2[%add3A, %dma_wait3A_113, %dma_wait3A_114] : memref<32x577x768xf32, #tpu.memory_space<hbm>> -> memref<1x577x768xf32, #tpu.memory_space<hbm>>
    %dma_wait3A_116 = tpu.memref_squeeze %dma_wait3A_115 : memref<1x577x768xf32, #tpu.memory_space<hbm>> -> memref<577x768xf32, #tpu.memory_space<hbm>>
    %dma_wait3A_117 = arith.constant 0 : i32
    %dma_wait3A_118 = arith.constant 0 : i32
    %dma_wait3A_119 = tpu.memref_slice %dma_wait3A_116[%dma_wait3A_117, %dma_wait3A_118] : memref<577x768xf32, #tpu.memory_space<hbm>> -> memref<577x768xf32, #tpu.memory_space<hbm>>
    tpu.wait_indirect_dma semaphore(%arg10 : memref<!tpu.dma_semaphore, #tpu.memory_space<semaphore_mem>>) src(%dma_wait3A_119 : memref<577x768xf32, #tpu.memory_space<hbm>>) dst(%arg8 : memref<64x768xf32, #tpu.memory_space<vmem>>)
    %dma_start3A_120 = arith.constant 2 : i32
    %dma_start3A_121 = arith.constant 0 : i32
    %dma_start3A_122 = tpu.memref_slice %arg7[%dma_start3A_120, %dma_start3A_121] : memref<5x64xi32, #tpu.memory_space<vmem>> -> memref<1x64xi32, #tpu.memory_space<vmem>>
    %dma_start3A_123 = tpu.memref_squeeze %dma_start3A_122 : memref<1x64xi32, #tpu.memory_space<vmem>> -> memref<64xi32, #tpu.memory_space<vmem>>
    %dma_start3A_124 = arith.constant 0 : i32
    %dma_start3A_125 = arith.constant 0 : i32
    %dma_start3A_126 = tpu.memref_slice %arg5[%add3A, %dma_start3A_124, %dma_start3A_125] : memref<32x289x768xf32, #tpu.memory_space<hbm>> -> memref<1x289x768xf32, #tpu.memory_space<hbm>>
    %dma_start3A_127 = tpu.memref_squeeze %dma_start3A_126 : memref<1x289x768xf32, #tpu.memory_space<hbm>> -> memref<289x768xf32, #tpu.memory_space<hbm>>
    %dma_start3A_128 = arith.constant 0 : i32
    %dma_start3A_129 = arith.constant 0 : i32
    %dma_start3A_130 = tpu.memref_slice %dma_start3A_127[%dma_start3A_128, %dma_start3A_129] : memref<289x768xf32, #tpu.memory_space<hbm>> -> memref<289x768xf32, #tpu.memory_space<hbm>>
    tpu.enqueue_indirect_dma source(%arg8 : memref<64x768xf32, #tpu.memory_space<vmem>>) target(%dma_start3A_130 : memref<289x768xf32, #tpu.memory_space<hbm>>) offsets(%dma_start3A_123 : memref<64xi32, #tpu.memory_space<vmem>>) semaphore(%arg12 : memref<!tpu.dma_semaphore, #tpu.memory_space<semaphore_mem>>)
    %dma_wait3A_131 = arith.constant 2 : i32
    %dma_wait3A_132 = arith.constant 0 : i32
    %dma_wait3A_133 = tpu.memref_slice %arg7[%dma_wait3A_131, %dma_wait3A_132] : memref<5x64xi32, #tpu.memory_space<vmem>> -> memref<1x64xi32, #tpu.memory_space<vmem>>
    %dma_wait3A_134 = tpu.memref_squeeze %dma_wait3A_133 : memref<1x64xi32, #tpu.memory_space<vmem>> -> memref<64xi32, #tpu.memory_space<vmem>>
    %dma_wait3A_135 = arith.constant 0 : i32
    %dma_wait3A_136 = arith.constant 0 : i32
    %dma_wait3A_137 = tpu.memref_slice %arg5[%add3A, %dma_wait3A_135, %dma_wait3A_136] : memref<32x289x768xf32, #tpu.memory_space<hbm>> -> memref<1x289x768xf32, #tpu.memory_space<hbm>>
    %dma_wait3A_138 = tpu.memref_squeeze %dma_wait3A_137 : memref<1x289x768xf32, #tpu.memory_space<hbm>> -> memref<289x768xf32, #tpu.memory_space<hbm>>
    %dma_wait3A_139 = arith.constant 0 : i32
    %dma_wait3A_140 = arith.constant 0 : i32
    %dma_wait3A_141 = tpu.memref_slice %dma_wait3A_138[%dma_wait3A_139, %dma_wait3A_140] : memref<289x768xf32, #tpu.memory_space<hbm>> -> memref<289x768xf32, #tpu.memory_space<hbm>>
    tpu.wait_indirect_dma semaphore(%arg12 : memref<!tpu.dma_semaphore, #tpu.memory_space<semaphore_mem>>) src(%arg8 : memref<64x768xf32, #tpu.memory_space<vmem>>) dst(%dma_wait3A_141 : memref<289x768xf32, #tpu.memory_space<hbm>>)
    %dma_start3A_142 = arith.constant 4 : i32
    %dma_start3A_143 = arith.constant 0 : i32
    %dma_start3A_144 = tpu.memref_slice %arg6[%dma_start3A_142, %dma_start3A_143] : memref<5x64xi32, #tpu.memory_space<vmem>> -> memref<1x64xi32, #tpu.memory_space<vmem>>
    %dma_start3A_145 = tpu.memref_squeeze %dma_start3A_144 : memref<1x64xi32, #tpu.memory_space<vmem>> -> memref<64xi32, #tpu.memory_space<vmem>>
    %dma_start3A_146 = arith.constant 0 : i32
    %dma_start3A_147 = arith.constant 0 : i32
    %dma_start3A_148 = tpu.memref_slice %arg2[%add3A, %dma_start3A_146, %dma_start3A_147] : memref<32x577x768xf32, #tpu.memory_space<hbm>> -> memref<1x577x768xf32, #tpu.memory_space<hbm>>
    %dma_start3A_149 = tpu.memref_squeeze %dma_start3A_148 : memref<1x577x768xf32, #tpu.memory_space<hbm>> -> memref<577x768xf32, #tpu.memory_space<hbm>>
    %dma_start3A_150 = arith.constant 0 : i32
    %dma_start3A_151 = arith.constant 0 : i32
    %dma_start3A_152 = tpu.memref_slice %dma_start3A_149[%dma_start3A_150, %dma_start3A_151] : memref<577x768xf32, #tpu.memory_space<hbm>> -> memref<577x768xf32, #tpu.memory_space<hbm>>
    tpu.enqueue_indirect_dma source(%dma_start3A_152 : memref<577x768xf32, #tpu.memory_space<hbm>>) target(%arg8 : memref<64x768xf32, #tpu.memory_space<vmem>>) offsets(%dma_start3A_145 : memref<64xi32, #tpu.memory_space<vmem>>) semaphore(%arg10 : memref<!tpu.dma_semaphore, #tpu.memory_space<semaphore_mem>>)
    %dma_wait3A_153 = arith.constant 3 : i32
    %dma_wait3A_154 = arith.constant 0 : i32
    %dma_wait3A_155 = tpu.memref_slice %arg6[%dma_wait3A_153, %dma_wait3A_154] : memref<5x64xi32, #tpu.memory_space<vmem>> -> memref<1x64xi32, #tpu.memory_space<vmem>>
    %dma_wait3A_156 = tpu.memref_squeeze %dma_wait3A_155 : memref<1x64xi32, #tpu.memory_space<vmem>> -> memref<64xi32, #tpu.memory_space<vmem>>
    %dma_wait3A_157 = arith.constant 0 : i32
    %dma_wait3A_158 = arith.constant 0 : i32
    %dma_wait3A_159 = tpu.memref_slice %arg2[%add3A, %dma_wait3A_157, %dma_wait3A_158] : memref<32x577x768xf32, #tpu.memory_space<hbm>> -> memref<1x577x768xf32, #tpu.memory_space<hbm>>
    %dma_wait3A_160 = tpu.memref_squeeze %dma_wait3A_159 : memref<1x577x768xf32, #tpu.memory_space<hbm>> -> memref<577x768xf32, #tpu.memory_space<hbm>>
    %dma_wait3A_161 = arith.constant 0 : i32
    %dma_wait3A_162 = arith.constant 0 : i32
    %dma_wait3A_163 = tpu.memref_slice %dma_wait3A_160[%dma_wait3A_161, %dma_wait3A_162] : memref<577x768xf32, #tpu.memory_space<hbm>> -> memref<577x768xf32, #tpu.memory_space<hbm>>
    tpu.wait_indirect_dma semaphore(%arg11 : memref<!tpu.dma_semaphore, #tpu.memory_space<semaphore_mem>>) src(%dma_wait3A_163 : memref<577x768xf32, #tpu.memory_space<hbm>>) dst(%arg9 : memref<64x768xf32, #tpu.memory_space<vmem>>)
    %dma_start3A_164 = arith.constant 3 : i32
    %dma_start3A_165 = arith.constant 0 : i32
    %dma_start3A_166 = tpu.memref_slice %arg7[%dma_start3A_164, %dma_start3A_165] : memref<5x64xi32, #tpu.memory_space<vmem>> -> memref<1x64xi32, #tpu.memory_space<vmem>>
    %dma_start3A_167 = tpu.memref_squeeze %dma_start3A_166 : memref<1x64xi32, #tpu.memory_space<vmem>> -> memref<64xi32, #tpu.memory_space<vmem>>
    %dma_start3A_168 = arith.constant 0 : i32
    %dma_start3A_169 = arith.constant 0 : i32
    %dma_start3A_170 = tpu.memref_slice %arg5[%add3A, %dma_start3A_168, %dma_start3A_169] : memref<32x289x768xf32, #tpu.memory_space<hbm>> -> memref<1x289x768xf32, #tpu.memory_space<hbm>>
    %dma_start3A_171 = tpu.memref_squeeze %dma_start3A_170 : memref<1x289x768xf32, #tpu.memory_space<hbm>> -> memref<289x768xf32, #tpu.memory_space<hbm>>
    %dma_start3A_172 = arith.constant 0 : i32
    %dma_start3A_173 = arith.constant 0 : i32
    %dma_start3A_174 = tpu.memref_slice %dma_start3A_171[%dma_start3A_172, %dma_start3A_173] : memref<289x768xf32, #tpu.memory_space<hbm>> -> memref<289x768xf32, #tpu.memory_space<hbm>>
    tpu.enqueue_indirect_dma source(%arg9 : memref<64x768xf32, #tpu.memory_space<vmem>>) target(%dma_start3A_174 : memref<289x768xf32, #tpu.memory_space<hbm>>) offsets(%dma_start3A_167 : memref<64xi32, #tpu.memory_space<vmem>>) semaphore(%arg13 : memref<!tpu.dma_semaphore, #tpu.memory_space<semaphore_mem>>)
    %dma_wait3A_175 = arith.constant 4 : i32
    %dma_wait3A_176 = arith.constant 0 : i32
    %dma_wait3A_177 = tpu.memref_slice %arg6[%dma_wait3A_175, %dma_wait3A_176] : memref<5x64xi32, #tpu.memory_space<vmem>> -> memref<1x64xi32, #tpu.memory_space<vmem>>
    %dma_wait3A_178 = tpu.memref_squeeze %dma_wait3A_177 : memref<1x64xi32, #tpu.memory_space<vmem>> -> memref<64xi32, #tpu.memory_space<vmem>>
    %dma_wait3A_179 = arith.constant 0 : i32
    %dma_wait3A_180 = arith.constant 0 : i32
    %dma_wait3A_181 = tpu.memref_slice %arg2[%add3A, %dma_wait3A_179, %dma_wait3A_180] : memref<32x577x768xf32, #tpu.memory_space<hbm>> -> memref<1x577x768xf32, #tpu.memory_space<hbm>>
    %dma_wait3A_182 = tpu.memref_squeeze %dma_wait3A_181 : memref<1x577x768xf32, #tpu.memory_space<hbm>> -> memref<577x768xf32, #tpu.memory_space<hbm>>
    %dma_wait3A_183 = arith.constant 0 : i32
    %dma_wait3A_184 = arith.constant 0 : i32
    %dma_wait3A_185 = tpu.memref_slice %dma_wait3A_182[%dma_wait3A_183, %dma_wait3A_184] : memref<577x768xf32, #tpu.memory_space<hbm>> -> memref<577x768xf32, #tpu.memory_space<hbm>>
    tpu.wait_indirect_dma semaphore(%arg10 : memref<!tpu.dma_semaphore, #tpu.memory_space<semaphore_mem>>) src(%dma_wait3A_185 : memref<577x768xf32, #tpu.memory_space<hbm>>) dst(%arg8 : memref<64x768xf32, #tpu.memory_space<vmem>>)
    %dma_start3A_186 = arith.constant 4 : i32
    %dma_start3A_187 = arith.constant 0 : i32
    %dma_start3A_188 = tpu.memref_slice %arg7[%dma_start3A_186, %dma_start3A_187] : memref<5x64xi32, #tpu.memory_space<vmem>> -> memref<1x64xi32, #tpu.memory_space<vmem>>
    %dma_start3A_189 = tpu.memref_squeeze %dma_start3A_188 : memref<1x64xi32, #tpu.memory_space<vmem>> -> memref<64xi32, #tpu.memory_space<vmem>>
    %dma_start3A_190 = arith.constant 0 : i32
    %dma_start3A_191 = arith.constant 0 : i32
    %dma_start3A_192 = tpu.memref_slice %arg5[%add3A, %dma_start3A_190, %dma_start3A_191] : memref<32x289x768xf32, #tpu.memory_space<hbm>> -> memref<1x289x768xf32, #tpu.memory_space<hbm>>
    %dma_start3A_193 = tpu.memref_squeeze %dma_start3A_192 : memref<1x289x768xf32, #tpu.memory_space<hbm>> -> memref<289x768xf32, #tpu.memory_space<hbm>>
    %dma_start3A_194 = arith.constant 0 : i32
    %dma_start3A_195 = arith.constant 0 : i32
    %dma_start3A_196 = tpu.memref_slice %dma_start3A_193[%dma_start3A_194, %dma_start3A_195] : memref<289x768xf32, #tpu.memory_space<hbm>> -> memref<289x768xf32, #tpu.memory_space<hbm>>
    tpu.enqueue_indirect_dma source(%arg8 : memref<64x768xf32, #tpu.memory_space<vmem>>) target(%dma_start3A_196 : memref<289x768xf32, #tpu.memory_space<hbm>>) offsets(%dma_start3A_189 : memref<64xi32, #tpu.memory_space<vmem>>) semaphore(%arg12 : memref<!tpu.dma_semaphore, #tpu.memory_space<semaphore_mem>>)
    %dma_wait3A_197 = arith.constant 3 : i32
    %dma_wait3A_198 = arith.constant 0 : i32
    %dma_wait3A_199 = tpu.memref_slice %arg7[%dma_wait3A_197, %dma_wait3A_198] : memref<5x64xi32, #tpu.memory_space<vmem>> -> memref<1x64xi32, #tpu.memory_space<vmem>>
    %dma_wait3A_200 = tpu.memref_squeeze %dma_wait3A_199 : memref<1x64xi32, #tpu.memory_space<vmem>> -> memref<64xi32, #tpu.memory_space<vmem>>
    %dma_wait3A_201 = arith.constant 0 : i32
    %dma_wait3A_202 = arith.constant 0 : i32
    %dma_wait3A_203 = tpu.memref_slice %arg5[%add3A, %dma_wait3A_201, %dma_wait3A_202] : memref<32x289x768xf32, #tpu.memory_space<hbm>> -> memref<1x289x768xf32, #tpu.memory_space<hbm>>
    %dma_wait3A_204 = tpu.memref_squeeze %dma_wait3A_203 : memref<1x289x768xf32, #tpu.memory_space<hbm>> -> memref<289x768xf32, #tpu.memory_space<hbm>>
    %dma_wait3A_205 = arith.constant 0 : i32
    %dma_wait3A_206 = arith.constant 0 : i32
    %dma_wait3A_207 = tpu.memref_slice %dma_wait3A_204[%dma_wait3A_205, %dma_wait3A_206] : memref<289x768xf32, #tpu.memory_space<hbm>> -> memref<289x768xf32, #tpu.memory_space<hbm>>
    tpu.wait_indirect_dma semaphore(%arg13 : memref<!tpu.dma_semaphore, #tpu.memory_space<semaphore_mem>>) src(%arg9 : memref<64x768xf32, #tpu.memory_space<vmem>>) dst(%dma_wait3A_207 : memref<289x768xf32, #tpu.memory_space<hbm>>)
    %dma_wait3A_208 = arith.constant 4 : i32
    %dma_wait3A_209 = arith.constant 0 : i32
    %dma_wait3A_210 = tpu.memref_slice %arg7[%dma_wait3A_208, %dma_wait3A_209] : memref<5x64xi32, #tpu.memory_space<vmem>> -> memref<1x64xi32, #tpu.memory_space<vmem>>
    %dma_wait3A_211 = tpu.memref_squeeze %dma_wait3A_210 : memref<1x64xi32, #tpu.memory_space<vmem>> -> memref<64xi32, #tpu.memory_space<vmem>>
    %dma_wait3A_212 = arith.constant 0 : i32
    %dma_wait3A_213 = arith.constant 0 : i32
    %dma_wait3A_214 = tpu.memref_slice %arg5[%add3A, %dma_wait3A_212, %dma_wait3A_213] : memref<32x289x768xf32, #tpu.memory_space<hbm>> -> memref<1x289x768xf32, #tpu.memory_space<hbm>>
    %dma_wait3A_215 = tpu.memref_squeeze %dma_wait3A_214 : memref<1x289x768xf32, #tpu.memory_space<hbm>> -> memref<289x768xf32, #tpu.memory_space<hbm>>
    %dma_wait3A_216 = arith.constant 0 : i32
    %dma_wait3A_217 = arith.constant 0 : i32
    %dma_wait3A_218 = tpu.memref_slice %dma_wait3A_215[%dma_wait3A_216, %dma_wait3A_217] : memref<289x768xf32, #tpu.memory_space<hbm>> -> memref<289x768xf32, #tpu.memory_space<hbm>>
    tpu.wait_indirect_dma semaphore(%arg12 : memref<!tpu.dma_semaphore, #tpu.memory_space<semaphore_mem>>) src(%arg8 : memref<64x768xf32, #tpu.memory_space<vmem>>) dst(%dma_wait3A_218 : memref<289x768xf32, #tpu.memory_space<hbm>>)
    return
  }
}

</mosaic_0001>

<sc_bundles>
// kernel: kernel.3.cloned.1.call-start
scs
__scs_entry_jumppad:
0x0: {  	(pc) =	sbr.rel $0x88, $3  }
0x1: {  	(tag) =	ssettag $0x0;
	lr =	simm.s32 $0x1  }
0x2: {  	[smem:$0x3F9E] =	sst lr;
	_ =	strace $0xD0000000  }
0x3: {  	_ = 	snop  }
0x4: {  	_ = 	snop  }
0x5: {  	_ = 	snop  }
0x6: {  	_ = 	snop  }
0x7: {  	_ = 	snop  }
__scs_overlays_trampoline_lowered:
0x8: {  	[smem:$0x3FAD] =	sst s0  }
0x9: {  	[smem:$0x3FAE] =	sst s1  }
0xa: {  	[smem:$0x3FAF] =	sst s2  }
0xb: {  	[smem:$0x3FB0] =	sst s3  }
0xc: {  	[smem:$0x3FB1] =	sst s4  }
0xd: {  	[smem:$0x3FB2] =	sst s5  }
0xe: {  	[smem:$0x3FB3] =	sst s6  }
0xf: {  	[smem:$0x3FB4] =	sst s7  }
0x10: {  	[smem:$0x3FB5] =	sst s8  }
0x11: {  	[smem:$0x3FB6] =	sst s9;
	s0 =	simm.s32 @!p0 $0x0  }
0x12: {  	s1 =	sld [smem:$0x3F9C];
	s0 =	simm.s32 @p0 $0x1  }
0x13: {  	[smem:$0x3FB7] =	sst s0;
	s0 =	simm.s32 @!p1 $0x0  }
0x14: {  	s2 =	sld [smem:$0x3F9B];
	s0 =	simm.s32 @p1 $0x1  }
0x15: {  	[smem:$0x3FB8] =	sst s0;
	s0 =	simm.s32 @!p2 $0x0  }
0x16: {  	s3 =	sld [smem:$0x3FDB];
	s0 =	simm.s32 @p2 $0x1  }
0x17: {  	s4 =	simm.s32 $0x1BF5;
	[smem:$0x3FBA] =	sst s0  }
0x18: {  	s0 =	sld [smem:$0x3F9D];
	_ =	swait.ge [sflag:s4], $0x0  }
0x19: {  	s7 =	sld [smem:$0x3F9E]  }
0x1a: {  	s8 =	sadd.s32 $0xFFFFE003, lr  }
0x1b: {  	s9 =	sadd.s32 $0xFFFFFEF7, lr;
	s5 =	simm.s32 $0xFFFFFFFF;
	p2 =	slt.u32 s8, $0xFFFFF086  }
0x1c: {  	p1 =	slt.u32 s9, $0xF7A;
	s5 =	simm.s32 @!p2 $0x0  }
0x1d: {  	s5 =	simm.s32 @p1 $0x1;
	p0 =	seq.s32 s7, s2  }
0x1e: {  	s7 =	smul.u32 @!p0 $0xF7A, s2;
	p2 =	seq.s32 @!p0 s5, $0x0  }
0x1f: {  	s9 =	smul.u32 $0xF7A, s1;
	s8 =	simm.s32 @!p0 $0x1BF5;
	p2 =	por !p2, p0  }
0x20: {  	[sflag:s8] =	ssyncset.s32 @!p0 $0xFFFFF086;
	s6 =	sadd.s32 @!p0 s3, s7;
	s7 =	simm.s32 @!p0 $0x108  }
0x21: {  	s3 =	sadd.s32 s3, s9;
	s6 =	sadd.s32 @!p0 $0x88, s6;
	s7 =	simm.s32 @p2 $0x1082  }
0x22: {  	[simem:s7], [sflag:s8] =	dma.local @!p0 [hbm:s6], $0xF7A  }
0x23: {  	s9 =	sor.u32 $0xD0000000, s2;
	s6 =	simm.s32 $0x108;
	_ =	swait.ge @!p0 [sflag:s8], $0x0  }
0x24: {  	s3 =	sadd.s32 $0x88, s3;
	s6 =	simm.s32 @!p1 $0x1082;
	[sflag:s4] =	ssyncset.s32 $0xFFFFF086  }
0x25: {  	[simem:s6], [sflag:s4] =	dma.local [hbm:s3], $0xF7A  }
0x26: {  	[smem:$0x3F9E] =	sst s1;
	(tag) =	ssettag s2;
	_ =	strace s9  }
0x27: {  	s1 =	sld [smem:$0x3FAE]  }
0x28: {  	s2 =	sld [smem:$0x3FAF]  }
0x29: {  	s4 =	sld [smem:$0x3FB1]  }
0x2a: {  	p0 =	seq.s32 s5, $0x0;
	s5 =	sld [smem:$0x3FB2]  }
0x2b: {  	s6 =	sld [smem:$0x3FB3]  }
0x2c: {  	s7 =	sld [smem:$0x3FB4]  }
0x2d: {  	s3 =	simm.s32 $0x108;
	s8 =	sld [smem:$0x3FB5]  }
0x2e: {  	s3 =	simm.s32 @!p0 $0x1082;
	s9 =	sld [smem:$0x3FB6]  }
0x2f: {  	lr =	sadd.s32 s0, s3;
	s0 =	sld [smem:$0x3FAD]  }
0x30: {  	s3 =	sld [smem:$0x3FB0]  }
0x31: {  	[smem:$0x3FB9] =	sst s10  }
0x32: {  	s10 =	sld [smem:$0x3FB7];
	_ =	sdelay $0x3  }
0x33: {  	p0 =	seq.s32 s10, $0x1;
	s10 =	sld [smem:$0x3FB9];
	_ =	sdelay $0x3  }
0x34: {  	[smem:$0x3FB9] =	sst s10  }
0x35: {  	s10 =	sld [smem:$0x3FB8];
	_ =	sdelay $0x3  }
0x36: {  	p1 =	seq.s32 s10, $0x1;
	s10 =	sld [smem:$0x3FB9];
	_ =	sdelay $0x3  }
0x37: {  	[smem:$0x3FB9] =	sst s10  }
0x38: {  	s10 =	sld [smem:$0x3FBA]  }
0x39: {  	_ = 	snop;
	(pc) =	sbr.ind lr, $3  }
0x3a: {  	_ = 	snop  }
0x3b: {  	_ = 	snop  }
0x3c: {  	p2 =	seq.s32 s10, $0x1;
	s10 =	sld [smem:$0x3FB9]  }
0x3d: {  	_ =	shalt  }
0x3e: {  	_ =	shalt  }
0x3f: {  	_ =	shalt  }
0x40: {  	_ =	shalt  }
0x41: {  	_ =	shalt  }
0x42: {  	_ =	shalt  }
0x43: {  	_ =	shalt  }
0x44: {  	_ =	shalt  }
0x45: {  	_ =	shalt  }
0x46: {  	_ =	shalt  }
0x47: {  	_ =	shalt  }
0x48: {  	_ =	shalt  }
0x49: {  	_ =	shalt  }
0x4a: {  	_ =	shalt  }
0x4b: {  	_ =	shalt  }
0x4c: {  	_ =	shalt  }
0x4d: {  	_ =	shalt  }
0x4e: {  	_ =	shalt  }
0x4f: {  	_ =	shalt  }
0x50: {  	_ =	shalt  }
0x51: {  	_ =	shalt  }
0x52: {  	_ =	shalt  }
0x53: {  	_ =	shalt  }
0x54: {  	_ =	shalt  }
0x55: {  	_ =	shalt  }
0x56: {  	_ =	shalt  }
0x57: {  	_ =	shalt  }
0x58: {  	_ =	shalt  }
0x59: {  	_ =	shalt  }
0x5a: {  	_ =	shalt  }
0x5b: {  	_ =	shalt  }
0x5c: {  	_ =	shalt  }
0x5d: {  	_ =	shalt  }
0x5e: {  	_ =	shalt  }
0x5f: {  	_ =	shalt  }
0x60: {  	_ =	shalt  }
0x61: {  	_ =	shalt  }
0x62: {  	_ =	shalt  }
0x63: {  	_ =	shalt  }
0x64: {  	_ =	shalt  }
0x65: {  	_ =	shalt  }
0x66: {  	_ =	shalt  }
0x67: {  	_ =	shalt  }
0x68: {  	_ =	shalt  }
0x69: {  	_ =	shalt  }
0x6a: {  	_ =	shalt  }
0x6b: {  	_ =	shalt  }
0x6c: {  	_ =	shalt  }
0x6d: {  	_ =	shalt  }
0x6e: {  	_ =	shalt  }
0x6f: {  	_ =	shalt  }
0x70: {  	_ =	shalt  }
0x71: {  	_ =	shalt  }
0x72: {  	_ =	shalt  }
0x73: {  	_ =	shalt  }
0x74: {  	_ =	shalt  }
0x75: {  	_ =	shalt  }
0x76: {  	_ =	shalt  }
0x77: {  	_ =	shalt  }
0x78: {  	_ =	shalt  }
0x79: {  	_ =	shalt  }
0x7a: {  	_ =	shalt  }
0x7b: {  	_ =	shalt  }
0x7c: {  	_ =	shalt  }
0x7d: {  	_ =	shalt  }
0x7e: {  	_ =	shalt  }
0x7f: {  	_ =	shalt  }
0x80: {  	_ =	shalt  }
0x81: {  	_ =	shalt  }
0x82: {  	_ =	shalt  }
0x83: {  	_ =	shalt  }
0x84: {  	_ =	shalt  }
0x85: {  	_ =	shalt  }
0x86: {  	_ =	shalt  }
0x87: {  	_ =	shalt  }
.Lfunc_end0:
.L_simem_size_0:
called_computation_lowered:
.L_overlay_start_0:
0x88: {  	s2 =	sld [smem:$0x3FD9]  }
0x89: {  	s3 =	sld [smem:$0x3FFE];
	_ =	sdelay $0x1  }
0x8a: {  	s1 =	srdreg.scid  }
0x8b: {  	s0 =	sand.u32 $0x1, s1  }
0x8c: {  	s17 =	sshll.u32 s0, $0xA;
	s2 =	sadd.s32 s3, s2  }
0x8d: {  	s2 =	sadd.s32 s2, s17  }
0x8e: {  	[smem:$0x3FC5] =	sst s2  }
0x8f: {  	_ = 	snop  }
0x90: {  	s2 =	sld [smem:$0x3FD0];
	(tm) =	ssettm $0x1  }
0x91: {  	s18 =	sld [smem:$0x3FFB];
	_ =	sdelay $0x3  }
0x92: {  	_ =	strace s18  }
0x93: {  	s3 =	sld [smem:$0x3FFC];
	_ =	sdelay $0x3  }
0x94: {  	_ =	strace s3  }
0x95: {  	s3 =	sld [smem:$0x3FFD];
	_ =	sdelay $0x3  }
0x96: {  	_ =	strace s3  }
0x97: {  	_ =	strace $0x8FFFFFFF  }
0x98: {  	s19 =	sld [smem:$0x3FDB];
	_ =	sdelay $0x1  }
0x99: {  	s4 =	simm.s32 $_scs_section_size  }
0x9a: {  	s5 =	simm.s32 $_size__tile_overlayer_lowered;
	s6 =	simm.s32 $_tile_overlayer_lowered  }
0x9b: {  	s22 =	simm.s32 $0x1BFF;
	s21 =	sshll.u32 s6, $0x1;
	s3 =	sadd.s32 s4, s19  }
0x9c: {  	s7 =	simm.s32 $0x0;
	s20 =	sshll.u32 s5, $0x1;
	s5 =	sadd.s32 s21, s3  }
0x9d: {  	[timem:s7], [sflag:s22] =	dma.local [hbm:s5], s20  }
0x9e: {  	_ =	swait.ge [sflag:s22], s20  }
0x9f: {  	s4 =	ssub.s32 $0x0, s20;
	[sflag:s22] =	ssyncset.done $0x0  }
0xa0: {  	[sflag:s22] =	ssyncadd.s32 s4;
	_ =	sdelay $0x1  }
0xa1: {  	s23 =	simm.s32 $0x1B8B  }
0xa2: {  	_ =	swait.ge [sflag:s23], $0x1  }
0xa3: {  	[sflag:s23] =	ssyncset.done $0x0  }
0xa4: {  	s25 =	simm.s32 $0x1B8E;
	s24 =	sld [smem:$0x3FFE];
	[sflag:s23] =	ssyncadd.s32 $0xFFFFFFFF  }
0xa5: {  	s26 =	simm.s32 $execute0_lowered;
	[smem:$0x3FD2] =	sst s25  }
0xa6: {  	s5 =	sshll.u32 s26, $0x1;
	_ =	strace $0x80000046;
	[dreg:$0x1] =	wrdreg $0xFFFFFFFF  }
0xa7: {  	s28 =	simm.s32 $_size_execute0_lowered;
	s3 =	sadd.s32 s3, s5;
	[dreg:$0x0] =	wrdreg $0x0  }
0xa8: {  	s5 =	sshll.u32 s28, $0x1;
	[dreg:$0x2] =	wrdreg s3  }
0xa9: {  	[dreg:$0x3] =	wrdreg s5  }
0xaa: {  	[dreg:$0x4] =	wrdreg $0xC0  }
0xab: {  	_ =	task [dreg:s7], $0x5FFFF  }
0xac: {  	[dreg:$0x1] =	wrdreg $0xFFFFFFFF  }
0xad: {  	[dreg:$0x0] =	wrdreg $0x60  }
0xae: {  	[dreg:$0x2] =	wrdreg s24  }
0xaf: {  	[dreg:$0x3] =	wrdreg s2  }
0xb0: {  	[dreg:$0x4] =	wrdreg $0x9  }
0xb1: {  	_ =	task.clear_ibuf [dreg:s7], $0x5FFFF;
	_ =	strace $0x90000046  }
0xb2: {  	s29 =	simm.s32 $0x9;
	_ =	strace $0x80000048  }
0xb3: {  	_ =	swait.ge [sflag:s29], $0x1  }
0xb4: {  	[sflag:s29] =	ssyncadd.s32 $0xFFFFFFFF  }
0xb5: {  	_ =	strace $0x90000048  }
0xb6: {  	_ =	sfence  }
0xb7: {  	s30 =	sld [smem:$0x0];
	_ =	sdelay $0x2  }
0xb8: {  	s31 =	sshll.u32 s1, $0xD;
	s1 =	sshrl.u32 s1, $0x2  }
0xb9: {  	s3 =	sand.u32 $0x4000, s31;
	s1 =	sadd.s32 s1, s30  }
0xba: {  	s0 =	sor.u32 s3, s0;
	s1 =	sshll.u32 s1, $0x11  }
0xbb: {  	s0 =	sor.u32 s1, s0  }
0xbc: {  	s0 =	sadd.s32 $0x8F2B, s0  }
0xbd: {  	[sflag:s0] =	ssyncadd.remote.s32 $0x1  }
0xbe: {  	_ =	sfence.sel $0xFFFF  }
0xbf: {  	[dreg:$0x0] =	wrdreg $0xFFFFFFFF;
	(pc) =	sbr.abs _section_cstart, $3  }
0xc0: {  	[dreg:$0x1] =	wrdreg $0xFFFFFFFF  }
0xc1: {  	_ =	task.clear_ibuf [dreg:s7], $0x2FFFF;
	_ =	strace $0x9FFFFFFF  }
0xc2: {  	(tm) =	ssettm $0x7FFFFFFF  }
0xc3: {  	_ =	shalt  }
tec
execute0_lowered:
.L_overlay_start_1:
0x0: {  	(tag) =	ssettag $0x1  }
0x1: {  	s0 =	rddreg [dreg:$0x0]  }
0x2: {  	s1 =	rddreg [dreg:$0x1];
	s2 =	simm.s32 $0x0;
	s3 =	srdreg.scid  }
0x3: {  	s5 =	stileid.u32;
	s31 =	simm.s32 $0x400;
	[smem:$0x7FF] =	sst s2  }
0x4: {  	s4 =	sadd.s32 $0x1B6000, s0;
	s3 =	sand.u32 $0x1, s3;
	s5 =	sshll.u32 s5, $0x1  }
0x5: {  	_ =	strace $0x80000047;
	[dreg:$0x3] =	wrdreg s4;
	s29 =	sor.u32 s3, s5  }
0x6: {  	s3 =	ssub.s32 $0x2, s3;
	[dreg:$0x5] =	wrdreg s31;
	s5 =	smul.u32 $0x6F00, s29  }
0x7: {  	s6 =	sshll.u32 s29, $0x7;
	s7 =	sshrl.u32 s3, $0x1;
	s4 =	smul.u32 $0xDB00, s29  }
0x8: {  	v2 =	vlaneseq.u32;
	s1 =	sadd.s32 s1, s6;
	s30 =	ssub.s32 s3, s7;
	s5 =	sadd.s32 s5, s0  }
0x9: {  	vm0 =	vmmov $0xffff;
	v1 =	vshrl.u32 v2, $0x3;
	[dreg:$0x4] =	wrdreg s1;
	s3 =	sadd.s32 s0, s4;
	s1 =	smax.u32 s30, $0x1  }
0xa: {  	v0 =	vand.u32 $0x7, v2;
	v2 =	vor.u32 $0x8, v2;
	v1 =	vmul.u32 $0x8, v1;
	s4 =	sadd.s32 $0x1B6200, s5;
	s8 =	sadd.s32 $0x100, s3;
	s10 =	sadd.s32 $0x200, s3  }
.LBB2_1:
0xb: {  	[dreg:$0x6] =	wrdreg s1  }
0xc: {  	s12 =	rddreg [dreg:$0x4];
	s14 =	simm.s32 $0x5  }
0xd: {  	[tilespmem:s2], [sflag:$0x5] =	stream.linear.gather [hbm4b:s12+s2], $0x280, $0x38;
	[tilespmem:$0x18800] =	vst v63  }
0xe: {  	_ =	swait.ge [sflag:s14], $0x280  }
0xf: {  	s20 =	rddreg [dreg:$0x3];
	[sflag:s14] =	ssyncset.done $0x0  }
0x10: {  	s13 =	rddreg [dreg:$0x5];
	[sflag:s14] =	ssyncadd.s32 $0xFFFFFD80  }
0x11: {  	[tilespmem:s13], [sflag:$0x5] =	stream.linear.gather [hbm4b:s20+s2], $0x280, $0x38;
	[tilespmem:$0x18800] =	vst v63  }
0x12: {  	_ =	swait.ge [sflag:s14], $0x280  }
0x13: {  	[sflag:s14] =	ssyncset.done $0x0  }
0x14: {  	[sflag:s14] =	ssyncadd.s32 $0xFFFFFD80  }
0x15: {  	v3 =	vld [tilespmem:$0x0];
	_ =	sdelay $0x4  }
0x16: {  	v4 =	vshrl.u32 v3, $0x3  }
0x17: {  	v4 =	vmul.u32 $0x30, v4  }
0x18: {  	v3 =	vand.u32 $0x7, v3  }
0x19: {  	v3 =	vor.u32 v3, v4  }
0x1a: {  	v4 =	vperm.xlane v3, v0;
	_ =	sdelay $0x1  }
0x1b: {  	v4 =	vadd.s32 v1, v4;
	_ =	sdelay $0x3  }
0x1c: {  	s0 =	simm.s32 $0x800;
	v3 =	vperm.xlane v3, v2  }
0x1d: {  	[tilespmem:s0], [sflag:$0x1] =	stream.indirect_vreg.gather [hbm4b:s3+s2], $0x80, v4, vm0, $0xb8;
	[tilespmem:$0x18800] =	vst v63  }
0x1e: {  	s21 =	simm.s32 $0x1000;
	v3 =	vadd.s32 v1, v3  }
0x1f: {  	[tilespmem:s21], [sflag:$0x1] =	stream.indirect_vreg.gather [hbm4b:s8+s2], $0x80, v4, vm0, $0xb8;
	[tilespmem:$0x18800] =	vst v63  }
0x20: {  	s22 =	simm.s32 $0x1800  }
0x21: {  	[tilespmem:s22], [sflag:$0x1] =	stream.indirect_vreg.gather [hbm4b:s10+s2], $0x80, v4, vm0, $0xb8;
	[tilespmem:$0x18800] =	vst v63  }
0x22: {  	s23 =	simm.s32 $0x2000  }
0x23: {  	[tilespmem:s23], [sflag:$0x1] =	stream.indirect_vreg.gather [hbm4b:s3+s2], $0x80, v3, vm0, $0xb8;
	[tilespmem:$0x18800] =	vst v63  }
0x24: {  	s24 =	simm.s32 $0x2800  }
0x25: {  	[tilespmem:s24], [sflag:$0x1] =	stream.indirect_vreg.gather [hbm4b:s8+s2], $0x80, v3, vm0, $0xb8;
	[tilespmem:$0x18800] =	vst v63  }
0x26: {  	s25 =	simm.s32 $0x3000  }
0x27: {  	[tilespmem:s25], [sflag:$0x1] =	stream.indirect_vreg.gather [hbm4b:s10+s2], $0x80, v3, vm0, $0xb8;
	[tilespmem:$0x18800] =	vst v63  }
0x28: {  	v3 =	vld [tilespmem:$0x10];
	_ =	sdelay $0x4  }
0x29: {  	v25 =	vshrl.u32 v3, $0x3  }
0x2a: {  	v4 =	vmul.u32 $0x30, v25  }
0x2b: {  	v3 =	vand.u32 $0x7, v3  }
0x2c: {  	v3 =	vor.u32 v3, v4  }
0x2d: {  	v4 =	vperm.xlane v3, v0;
	_ =	sdelay $0x1  }
0x2e: {  	v4 =	vadd.s32 v1, v4;
	_ =	sdelay $0x3  }
0x2f: {  	s26 =	simm.s32 $0x3800;
	v3 =	vperm.xlane v3, v2  }
0x30: {  	[tilespmem:s26], [sflag:$0x1] =	stream.indirect_vreg.gather [hbm4b:s3+s2], $0x80, v4, vm0, $0xb8;
	[tilespmem:$0x18800] =	vst v63  }
0x31: {  	s28 =	simm.s32 $0x4000;
	v3 =	vadd.s32 v1, v3  }
0x32: {  	[tilespmem:s28], [sflag:$0x1] =	stream.indirect_vreg.gather [hbm4b:s8+s2], $0x80, v4, vm0, $0xb8;
	[tilespmem:$0x18800] =	vst v63  }
0x33: {  	s29 =	simm.s32 $0x4800  }
0x34: {  	[tilespmem:s29], [sflag:$0x1] =	stream.indirect_vreg.gather [hbm4b:s10+s2], $0x80, v4, vm0, $0xb8;
	[tilespmem:$0x18800] =	vst v63  }
0x35: {  	s30 =	simm.s32 $0x5000  }
0x36: {  	[tilespmem:s30], [sflag:$0x1] =	stream.indirect_vreg.gather [hbm4b:s3+s2], $0x80, v3, vm0, $0xb8;
	[tilespmem:$0x18800] =	vst v63  }
0x37: {  	s31 =	simm.s32 $0x5800  }
0x38: {  	[tilespmem:s31], [sflag:$0x1] =	stream.indirect_vreg.gather [hbm4b:s8+s2], $0x80, v3, vm0, $0xb8;
	[tilespmem:$0x18800] =	vst v63  }
0x39: {  	s1 =	simm.s32 $0x6000  }
0x3a: {  	[tilespmem:s1], [sflag:$0x1] =	stream.indirect_vreg.gather [hbm4b:s10+s2], $0x80, v3, vm0, $0xb8;
	[tilespmem:$0x18800] =	vst v63  }
0x3b: {  	v3 =	vld [tilespmem:$0x20];
	_ =	sdelay $0x4  }
0x3c: {  	v26 =	vshrl.u32 v3, $0x3  }
0x3d: {  	v4 =	vmul.u32 $0x30, v26  }
0x3e: {  	v3 =	vand.u32 $0x7, v3  }
0x3f: {  	v3 =	vor.u32 v3, v4  }
0x40: {  	v4 =	vperm.xlane v3, v0;
	_ =	sdelay $0x1  }
0x41: {  	v4 =	vadd.s32 v1, v4;
	_ =	sdelay $0x3  }
0x42: {  	s5 =	simm.s32 $0x6800;
	v3 =	vperm.xlane v3, v2  }
0x43: {  	[tilespmem:s5], [sflag:$0x1] =	stream.indirect_vreg.gather [hbm4b:s3+s2], $0x80, v4, vm0, $0xb8;
	[tilespmem:$0x18800] =	vst v63  }
0x44: {  	s6 =	simm.s32 $0x7000;
	v3 =	vadd.s32 v1, v3  }
0x45: {  	[tilespmem:s6], [sflag:$0x1] =	stream.indirect_vreg.gather [hbm4b:s8+s2], $0x80, v4, vm0, $0xb8;
	[tilespmem:$0x18800] =	vst v63  }
0x46: {  	s7 =	simm.s32 $0x7800  }
0x47: {  	[tilespmem:s7], [sflag:$0x1] =	stream.indirect_vreg.gather [hbm4b:s10+s2], $0x80, v4, vm0, $0xb8;
	[tilespmem:$0x18800] =	vst v63  }
0x48: {  	s9 =	simm.s32 $0x8000  }
0x49: {  	[tilespmem:s9], [sflag:$0x1] =	stream.indirect_vreg.gather [hbm4b:s3+s2], $0x80, v3, vm0, $0xb8;
	[tilespmem:$0x18800] =	vst v63  }
0x4a: {  	s11 =	simm.s32 $0x8800  }
0x4b: {  	[tilespmem:s11], [sflag:$0x1] =	stream.indirect_vreg.gather [hbm4b:s8+s2], $0x80, v3, vm0, $0xb8;
	[tilespmem:$0x18800] =	vst v63  }
0x4c: {  	s12 =	simm.s32 $0x9000  }
0x4d: {  	[tilespmem:s12], [sflag:$0x1] =	stream.indirect_vreg.gather [hbm4b:s10+s2], $0x80, v3, vm0, $0xb8;
	[tilespmem:$0x18800] =	vst v63  }
0x4e: {  	v3 =	vld [tilespmem:$0x30];
	_ =	sdelay $0x4  }
0x4f: {  	v27 =	vshrl.u32 v3, $0x3  }
0x50: {  	v4 =	vmul.u32 $0x30, v27  }
0x51: {  	v3 =	vand.u32 $0x7, v3  }
0x52: {  	v3 =	vor.u32 v3, v4  }
0x53: {  	v4 =	vperm.xlane v3, v0;
	_ =	sdelay $0x1  }
0x54: {  	v4 =	vadd.s32 v1, v4;
	_ =	sdelay $0x3  }
0x55: {  	s13 =	simm.s32 $0x9800;
	v3 =	vperm.xlane v3, v2  }
0x56: {  	[tilespmem:s13], [sflag:$0x1] =	stream.indirect_vreg.gather [hbm4b:s3+s2], $0x80, v4, vm0, $0xb8;
	[tilespmem:$0x18800] =	vst v63  }
0x57: {  	s14 =	simm.s32 $0xA000;
	v3 =	vadd.s32 v1, v3  }
0x58: {  	[tilespmem:s14], [sflag:$0x1] =	stream.indirect_vreg.gather [hbm4b:s8+s2], $0x80, v4, vm0, $0xb8;
	[tilespmem:$0x18800] =	vst v63  }
0x59: {  	s15 =	simm.s32 $0xA800  }
0x5a: {  	[tilespmem:s15], [sflag:$0x1] =	stream.indirect_vreg.gather [hbm4b:s10+s2], $0x80, v4, vm0, $0xb8;
	[tilespmem:$0x18800] =	vst v63  }
0x5b: {  	s16 =	simm.s32 $0xB000  }
0x5c: {  	[tilespmem:s16], [sflag:$0x1] =	stream.indirect_vreg.gather [hbm4b:s3+s2], $0x80, v3, vm0, $0xb8;
	[tilespmem:$0x18800] =	vst v63  }
0x5d: {  	s17 =	simm.s32 $0xB800  }
0x5e: {  	[tilespmem:s17], [sflag:$0x1] =	stream.indirect_vreg.gather [hbm4b:s8+s2], $0x80, v3, vm0, $0xb8;
	[tilespmem:$0x18800] =	vst v63  }
0x5f: {  	s18 =	simm.s32 $0xC000  }
0x60: {  	[tilespmem:s18], [sflag:$0x1] =	stream.indirect_vreg.gather [hbm4b:s10+s2], $0x80, v3, vm0, $0xb8;
	[tilespmem:$0x18800] =	vst v63  }
0x61: {  	v3 =	vld [tilespmem:$0x80];
	_ =	sdelay $0x4  }
0x62: {  	v28 =	vshrl.u32 v3, $0x3  }
0x63: {  	v4 =	vmul.u32 $0x30, v28  }
0x64: {  	v3 =	vand.u32 $0x7, v3  }
0x65: {  	v3 =	vor.u32 v3, v4  }
0x66: {  	v4 =	vperm.xlane v3, v0;
	_ =	sdelay $0x1  }
0x67: {  	v4 =	vadd.s32 v1, v4;
	_ =	sdelay $0x3  }
0x68: {  	s19 =	simm.s32 $0xC800;
	v3 =	vperm.xlane v3, v2  }
0x69: {  	[tilespmem:s19], [sflag:$0x2] =	stream.indirect_vreg.gather [hbm4b:s3+s2], $0x80, v4, vm0, $0xb8;
	[tilespmem:$0x18800] =	vst v63  }
0x6a: {  	s20 =	simm.s32 $0xD000;
	v3 =	vadd.s32 v1, v3  }
0x6b: {  	[tilespmem:s20], [sflag:$0x2] =	stream.indirect_vreg.gather [hbm4b:s8+s2], $0x80, v4, vm0, $0xb8;
	[tilespmem:$0x18800] =	vst v63  }
0x6c: {  	s21 =	simm.s32 $0xD800  }
0x6d: {  	[tilespmem:s21], [sflag:$0x2] =	stream.indirect_vreg.gather [hbm4b:s10+s2], $0x80, v4, vm0, $0xb8;
	[tilespmem:$0x18800] =	vst v63  }
0x6e: {  	s22 =	simm.s32 $0xE000  }
0x6f: {  	[tilespmem:s22], [sflag:$0x2] =	stream.indirect_vreg.gather [hbm4b:s3+s2], $0x80, v3, vm0, $0xb8;
	[tilespmem:$0x18800] =	vst v63  }
0x70: {  	s23 =	simm.s32 $0xE800  }
0x71: {  	[tilespmem:s23], [sflag:$0x2] =	stream.indirect_vreg.gather [hbm4b:s8+s2], $0x80, v3, vm0, $0xb8;
	[tilespmem:$0x18800] =	vst v63  }
0x72: {  	s24 =	simm.s32 $0xF000  }
0x73: {  	[tilespmem:s24], [sflag:$0x2] =	stream.indirect_vreg.gather [hbm4b:s10+s2], $0x80, v3, vm0, $0xb8;
	[tilespmem:$0x18800] =	vst v63  }
0x74: {  	v3 =	vld [tilespmem:$0x90];
	_ =	sdelay $0x4  }
0x75: {  	v29 =	vshrl.u32 v3, $0x3  }
0x76: {  	v4 =	vmul.u32 $0x30, v29  }
0x77: {  	v3 =	vand.u32 $0x7, v3  }
0x78: {  	v3 =	vor.u32 v3, v4  }
0x79: {  	v4 =	vperm.xlane v3, v0;
	_ =	sdelay $0x1  }
0x7a: {  	v4 =	vadd.s32 v1, v4;
	_ =	sdelay $0x3  }
0x7b: {  	s25 =	simm.s32 $0xF800;
	v3 =	vperm.xlane v3, v2  }
0x7c: {  	[tilespmem:s25], [sflag:$0x2] =	stream.indirect_vreg.gather [hbm4b:s3+s2], $0x80, v4, vm0, $0xb8;
	[tilespmem:$0x18800] =	vst v63  }
0x7d: {  	s26 =	simm.s32 $0x10000;
	v3 =	vadd.s32 v1, v3  }
0x7e: {  	[tilespmem:s26], [sflag:$0x2] =	stream.indirect_vreg.gather [hbm4b:s8+s2], $0x80, v4, vm0, $0xb8;
	[tilespmem:$0x18800] =	vst v63  }
0x7f: {  	s28 =	simm.s32 $0x10800  }
0x80: {  	[tilespmem:s28], [sflag:$0x2] =	stream.indirect_vreg.gather [hbm4b:s10+s2], $0x80, v4, vm0, $0xb8;
	[tilespmem:$0x18800] =	vst v63  }
0x81: {  	s29 =	simm.s32 $0x11000  }
0x82: {  	[tilespmem:s29], [sflag:$0x2] =	stream.indirect_vreg.gather [hbm4b:s3+s2], $0x80, v3, vm0, $0xb8;
	[tilespmem:$0x18800] =	vst v63  }
0x83: {  	s30 =	simm.s32 $0x11800  }
0x84: {  	[tilespmem:s30], [sflag:$0x2] =	stream.indirect_vreg.gather [hbm4b:s8+s2], $0x80, v3, vm0, $0xb8;
	[tilespmem:$0x18800] =	vst v63  }
0x85: {  	s31 =	simm.s32 $0x12000  }
0x86: {  	[tilespmem:s31], [sflag:$0x2] =	stream.indirect_vreg.gather [hbm4b:s10+s2], $0x80, v3, vm0, $0xb8;
	[tilespmem:$0x18800] =	vst v63  }
0x87: {  	v3 =	vld [tilespmem:$0xA0];
	_ =	sdelay $0x4  }
0x88: {  	v30 =	vshrl.u32 v3, $0x3  }
0x89: {  	v4 =	vmul.u32 $0x30, v30  }
0x8a: {  	v3 =	vand.u32 $0x7, v3  }
0x8b: {  	v3 =	vor.u32 v3, v4  }
0x8c: {  	v4 =	vperm.xlane v3, v0;
	_ =	sdelay $0x1  }
0x8d: {  	v4 =	vadd.s32 v1, v4;
	_ =	sdelay $0x3  }
0x8e: {  	s1 =	simm.s32 $0x12800;
	v3 =	vperm.xlane v3, v2  }
0x8f: {  	[tilespmem:s1], [sflag:$0x2] =	stream.indirect_vreg.gather [hbm4b:s3+s2], $0x80, v4, vm0, $0xb8;
	[tilespmem:$0x18800] =	vst v63  }
0x90: {  	s5 =	simm.s32 $0x13000;
	v3 =	vadd.s32 v1, v3  }
0x91: {  	[tilespmem:s5], [sflag:$0x2] =	stream.indirect_vreg.gather [hbm4b:s8+s2], $0x80, v4, vm0, $0xb8;
	[tilespmem:$0x18800] =	vst v63  }
0x92: {  	s6 =	simm.s32 $0x13800  }
0x93: {  	[tilespmem:s6], [sflag:$0x2] =	stream.indirect_vreg.gather [hbm4b:s10+s2], $0x80, v4, vm0, $0xb8;
	[tilespmem:$0x18800] =	vst v63  }
0x94: {  	s7 =	simm.s32 $0x14000  }
0x95: {  	[tilespmem:s7], [sflag:$0x2] =	stream.indirect_vreg.gather [hbm4b:s3+s2], $0x80, v3, vm0, $0xb8;
	[tilespmem:$0x18800] =	vst v63  }
0x96: {  	s9 =	simm.s32 $0x14800  }
0x97: {  	[tilespmem:s9], [sflag:$0x2] =	stream.indirect_vreg.gather [hbm4b:s8+s2], $0x80, v3, vm0, $0xb8;
	[tilespmem:$0x18800] =	vst v63  }
0x98: {  	s11 =	simm.s32 $0x15000  }
0x99: {  	[tilespmem:s11], [sflag:$0x2] =	stream.indirect_vreg.gather [hbm4b:s10+s2], $0x80, v3, vm0, $0xb8;
	[tilespmem:$0x18800] =	vst v63  }
0x9a: {  	v3 =	vld [tilespmem:$0xB0];
	_ =	sdelay $0x4  }
0x9b: {  	v31 =	vshrl.u32 v3, $0x3  }
0x9c: {  	v4 =	vmul.u32 $0x30, v31  }
0x9d: {  	v3 =	vand.u32 $0x7, v3  }
0x9e: {  	v3 =	vor.u32 v3, v4  }
0x9f: {  	v4 =	vperm.xlane v3, v0;
	_ =	sdelay $0x1  }
0xa0: {  	v4 =	vadd.s32 v1, v4;
	_ =	sdelay $0x3  }
0xa1: {  	s12 =	simm.s32 $0x15800;
	v3 =	vperm.xlane v3, v2  }
0xa2: {  	[tilespmem:s12], [sflag:$0x2] =	stream.indirect_vreg.gather [hbm4b:s3+s2], $0x80, v4, vm0, $0xb8;
	[tilespmem:$0x18800] =	vst v63  }
0xa3: {  	s13 =	simm.s32 $0x16000;
	v3 =	vadd.s32 v1, v3  }
0xa4: {  	[tilespmem:s13], [sflag:$0x2] =	stream.indirect_vreg.gather [hbm4b:s8+s2], $0x80, v4, vm0, $0xb8;
	[tilespmem:$0x18800] =	vst v63  }
0xa5: {  	s14 =	simm.s32 $0x16800  }
0xa6: {  	[tilespmem:s14], [sflag:$0x2] =	stream.indirect_vreg.gather [hbm4b:s10+s2], $0x80, v4, vm0, $0xb8;
	[tilespmem:$0x18800] =	vst v63  }
0xa7: {  	s15 =	simm.s32 $0x17000  }
0xa8: {  	[tilespmem:s15], [sflag:$0x2] =	stream.indirect_vreg.gather [hbm4b:s3+s2], $0x80, v3, vm0, $0xb8;
	[tilespmem:$0x18800] =	vst v63  }
0xa9: {  	s16 =	simm.s32 $0x17800  }
0xaa: {  	[tilespmem:s16], [sflag:$0x2] =	stream.indirect_vreg.gather [hbm4b:s8+s2], $0x80, v3, vm0, $0xb8;
	[tilespmem:$0x18800] =	vst v63  }
0xab: {  	s17 =	simm.s32 $0x18000;
	s18 =	simm.s32 $0x1  }
0xac: {  	[tilespmem:s17], [sflag:$0x2] =	stream.indirect_vreg.gather [hbm4b:s10+s2], $0x80, v3, vm0, $0xb8;
	[tilespmem:$0x18800] =	vst v63  }
0xad: {  	_ =	swait.ge [sflag:s18], $0xC000  }
0xae: {  	[sflag:s18] =	ssyncset.done $0x0  }
0xaf: {  	[sflag:s18] =	ssyncadd.s32 $0xFFFF4000  }
0xb0: {  	v3 =	vld [tilespmem:$0x400];
	_ =	sdelay $0x4  }
0xb1: {  	v32 =	vshrl.u32 v3, $0x3  }
0xb2: {  	v4 =	vmul.u32 $0x30, v32  }
0xb3: {  	v3 =	vand.u32 $0x7, v3  }
0xb4: {  	v3 =	vor.u32 v3, v4  }
0xb5: {  	v4 =	vperm.xlane v3, v0;
	_ =	sdelay $0x1  }
0xb6: {  	v4 =	vadd.s32 v1, v4;
	_ =	sdelay $0x3  }
0xb7: {  	s14 =	simm.s32 $0x800;
	v3 =	vperm.xlane v3, v2  }
0xb8: {  	[hbm4b:s4+s2] =	stream.indirect_vreg.scatter [tilespmem:s14], [sflag:$0x3], $0x80, v4, vm0, $0xb8;
	[tilespmem:$0x18800] =	vst v63  }
0xb9: {  	s12 =	sadd.s32 $0x100, s4;
	s15 =	simm.s32 $0x1000;
	v3 =	vadd.s32 v1, v3  }
0xba: {  	[hbm4b:s12+s2] =	stream.indirect_vreg.scatter [tilespmem:s15], [sflag:$0x3], $0x80, v4, vm0, $0xb8;
	[tilespmem:$0x18800] =	vst v63  }
0xbb: {  	s13 =	sadd.s32 $0x200, s4;
	s16 =	simm.s32 $0x1800  }
0xbc: {  	[hbm4b:s13+s2] =	stream.indirect_vreg.scatter [tilespmem:s16], [sflag:$0x3], $0x80, v4, vm0, $0xb8;
	[tilespmem:$0x18800] =	vst v63  }
0xbd: {  	s17 =	simm.s32 $0x2000  }
0xbe: {  	[hbm4b:s4+s2] =	stream.indirect_vreg.scatter [tilespmem:s17], [sflag:$0x3], $0x80, v3, vm0, $0xb8;
	[tilespmem:$0x18800] =	vst v63  }
0xbf: {  	s18 =	simm.s32 $0x2800  }
0xc0: {  	[hbm4b:s12+s2] =	stream.indirect_vreg.scatter [tilespmem:s18], [sflag:$0x3], $0x80, v3, vm0, $0xb8;
	[tilespmem:$0x18800] =	vst v63  }
0xc1: {  	s25 =	simm.s32 $0x3000  }
0xc2: {  	[hbm4b:s13+s2] =	stream.indirect_vreg.scatter [tilespmem:s25], [sflag:$0x3], $0x80, v3, vm0, $0xb8;
	[tilespmem:$0x18800] =	vst v63  }
0xc3: {  	v3 =	vld [tilespmem:$0x410];
	_ =	sdelay $0x4  }
0xc4: {  	v33 =	vshrl.u32 v3, $0x3  }
0xc5: {  	v4 =	vmul.u32 $0x30, v33  }
0xc6: {  	v3 =	vand.u32 $0x7, v3  }
0xc7: {  	v3 =	vor.u32 v3, v4  }
0xc8: {  	v4 =	vperm.xlane v3, v0;
	_ =	sdelay $0x1  }
0xc9: {  	v4 =	vadd.s32 v1, v4;
	_ =	sdelay $0x3  }
0xca: {  	s26 =	simm.s32 $0x3800;
	v3 =	vperm.xlane v3, v2  }
0xcb: {  	[hbm4b:s4+s2] =	stream.indirect_vreg.scatter [tilespmem:s26], [sflag:$0x3], $0x80, v4, vm0, $0xb8;
	[tilespmem:$0x18800] =	vst v63  }
0xcc: {  	s21 =	simm.s32 $0x4000;
	v3 =	vadd.s32 v1, v3  }
0xcd: {  	[hbm4b:s12+s2] =	stream.indirect_vreg.scatter [tilespmem:s21], [sflag:$0x3], $0x80, v4, vm0, $0xb8;
	[tilespmem:$0x18800] =	vst v63  }
0xce: {  	s22 =	simm.s32 $0x4800  }
0xcf: {  	[hbm4b:s13+s2] =	stream.indirect_vreg.scatter [tilespmem:s22], [sflag:$0x3], $0x80, v4, vm0, $0xb8;
	[tilespmem:$0x18800] =	vst v63  }
0xd0: {  	s23 =	simm.s32 $0x5000  }
0xd1: {  	[hbm4b:s4+s2] =	stream.indirect_vreg.scatter [tilespmem:s23], [sflag:$0x3], $0x80, v3, vm0, $0xb8;
	[tilespmem:$0x18800] =	vst v63  }
0xd2: {  	s24 =	simm.s32 $0x5800  }
0xd3: {  	[hbm4b:s12+s2] =	stream.indirect_vreg.scatter [tilespmem:s24], [sflag:$0x3], $0x80, v3, vm0, $0xb8;
	[tilespmem:$0x18800] =	vst v63  }
0xd4: {  	s20 =	simm.s32 $0x6000  }
0xd5: {  	[hbm4b:s13+s2] =	stream.indirect_vreg.scatter [tilespmem:s20], [sflag:$0x3], $0x80, v3, vm0, $0xb8;
	[tilespmem:$0x18800] =	vst v63  }
0xd6: {  	v3 =	vld [tilespmem:$0x420];
	_ =	sdelay $0x4  }
0xd7: {  	v34 =	vshrl.u32 v3, $0x3  }
0xd8: {  	v4 =	vmul.u32 $0x30, v34  }
0xd9: {  	v3 =	vand.u32 $0x7, v3  }
0xda: {  	v3 =	vor.u32 v3, v4  }
0xdb: {  	v4 =	vperm.xlane v3, v0;
	_ =	sdelay $0x1  }
0xdc: {  	v4 =	vadd.s32 v1, v4;
	_ =	sdelay $0x3  }
0xdd: {  	s5 =	simm.s32 $0x6800;
	v3 =	vperm.xlane v3, v2  }
0xde: {  	[hbm4b:s4+s2] =	stream.indirect_vreg.scatter [tilespmem:s5], [sflag:$0x3], $0x80, v4, vm0, $0xb8;
	[tilespmem:$0x18800] =	vst v63  }
0xdf: {  	s28 =	simm.s32 $0x7000;
	v3 =	vadd.s32 v1, v3  }
0xe0: {  	[hbm4b:s12+s2] =	stream.indirect_vreg.scatter [tilespmem:s28], [sflag:$0x3], $0x80, v4, vm0, $0xb8;
	[tilespmem:$0x18800] =	vst v63  }
0xe1: {  	s29 =	simm.s32 $0x7800  }
0xe2: {  	[hbm4b:s13+s2] =	stream.indirect_vreg.scatter [tilespmem:s29], [sflag:$0x3], $0x80, v4, vm0, $0xb8;
	[tilespmem:$0x18800] =	vst v63  }
0xe3: {  	s30 =	simm.s32 $0x8000  }
0xe4: {  	[hbm4b:s4+s2] =	stream.indirect_vreg.scatter [tilespmem:s30], [sflag:$0x3], $0x80, v3, vm0, $0xb8;
	[tilespmem:$0x18800] =	vst v63  }
0xe5: {  	s31 =	simm.s32 $0x8800  }
0xe6: {  	[hbm4b:s12+s2] =	stream.indirect_vreg.scatter [tilespmem:s31], [sflag:$0x3], $0x80, v3, vm0, $0xb8;
	[tilespmem:$0x18800] =	vst v63  }
0xe7: {  	s6 =	simm.s32 $0x9000  }
0xe8: {  	[hbm4b:s13+s2] =	stream.indirect_vreg.scatter [tilespmem:s6], [sflag:$0x3], $0x80, v3, vm0, $0xb8;
	[tilespmem:$0x18800] =	vst v63  }
0xe9: {  	v3 =	vld [tilespmem:$0x430];
	_ =	sdelay $0x4  }
0xea: {  	v35 =	vshrl.u32 v3, $0x3  }
0xeb: {  	v4 =	vmul.u32 $0x30, v35  }
0xec: {  	v3 =	vand.u32 $0x7, v3  }
0xed: {  	v3 =	vor.u32 v3, v4  }
0xee: {  	v4 =	vperm.xlane v3, v0;
	_ =	sdelay $0x1  }
0xef: {  	v4 =	vadd.s32 v1, v4;
	_ =	sdelay $0x3  }
0xf0: {  	s19 =	simm.s32 $0x9800;
	v3 =	vperm.xlane v3, v2  }
0xf1: {  	[hbm4b:s4+s2] =	stream.indirect_vreg.scatter [tilespmem:s19], [sflag:$0x3], $0x80, v4, vm0, $0xb8;
	[tilespmem:$0x18800] =	vst v63  }
0xf2: {  	s9 =	simm.s32 $0xA000;
	v3 =	vadd.s32 v1, v3  }
0xf3: {  	[hbm4b:s12+s2] =	stream.indirect_vreg.scatter [tilespmem:s9], [sflag:$0x3], $0x80, v4, vm0, $0xb8;
	[tilespmem:$0x18800] =	vst v63  }
0xf4: {  	s11 =	simm.s32 $0xA800  }
0xf5: {  	[hbm4b:s13+s2] =	stream.indirect_vreg.scatter [tilespmem:s11], [sflag:$0x3], $0x80, v4, vm0, $0xb8;
	[tilespmem:$0x18800] =	vst v63  }
0xf6: {  	s7 =	simm.s32 $0xB000  }
0xf7: {  	[hbm4b:s4+s2] =	stream.indirect_vreg.scatter [tilespmem:s7], [sflag:$0x3], $0x80, v3, vm0, $0xb8;
	[tilespmem:$0x18800] =	vst v63  }
0xf8: {  	s1 =	simm.s32 $0xB800  }
0xf9: {  	[hbm4b:s12+s2] =	stream.indirect_vreg.scatter [tilespmem:s1], [sflag:$0x3], $0x80, v3, vm0, $0xb8;
	[tilespmem:$0x18800] =	vst v63  }
0xfa: {  	s0 =	simm.s32 $0xC000  }
0xfb: {  	[hbm4b:s13+s2] =	stream.indirect_vreg.scatter [tilespmem:s0], [sflag:$0x3], $0x80, v3, vm0, $0xb8;
	[tilespmem:$0x18800] =	vst v63  }
0xfc: {  	s0 =	simm.s32 $0x3  }
0xfd: {  	_ =	swait.ge [sflag:s0], $0xC000  }
0xfe: {  	[sflag:s0] =	ssyncset.done $0x0  }
0xff: {  	[sflag:s0] =	ssyncadd.s32 $0xFFFF4000  }
0x100: {  	v3 =	vld [tilespmem:$0x100];
	_ =	sdelay $0x4  }
0x101: {  	v36 =	vshrl.u32 v3, $0x3  }
0x102: {  	v4 =	vmul.u32 $0x30, v36  }
0x103: {  	v3 =	vand.u32 $0x7, v3  }
0x104: {  	v3 =	vor.u32 v3, v4  }
0x105: {  	v4 =	vperm.xlane v3, v0;
	_ =	sdelay $0x1  }
0x106: {  	v4 =	vadd.s32 v1, v4;
	_ =	sdelay $0x3  }
0x107: {  	v3 =	vperm.xlane v3, v2  }
0x108: {  	[tilespmem:s14], [sflag:$0x1] =	stream.indirect_vreg.gather [hbm4b:s3+s2], $0x80, v4, vm0, $0xb8;
	[tilespmem:$0x18800] =	vst v63  }
0x109: {  	v3 =	vadd.s32 v1, v3  }
0x10a: {  	[tilespmem:s15], [sflag:$0x1] =	stream.indirect_vreg.gather [hbm4b:s8+s2], $0x80, v4, vm0, $0xb8;
	[tilespmem:$0x18800] =	vst v63  }
0x10b: {  	_ = 	snop  }
0x10c: {  	[tilespmem:s16], [sflag:$0x1] =	stream.indirect_vreg.gather [hbm4b:s10+s2], $0x80, v4, vm0, $0xb8;
	[tilespmem:$0x18800] =	vst v63  }
0x10d: {  	_ = 	snop  }
0x10e: {  	[tilespmem:s17], [sflag:$0x1] =	stream.indirect_vreg.gather [hbm4b:s3+s2], $0x80, v3, vm0, $0xb8;
	[tilespmem:$0x18800] =	vst v63  }
0x10f: {  	_ = 	snop  }
0x110: {  	[tilespmem:s18], [sflag:$0x1] =	stream.indirect_vreg.gather [hbm4b:s8+s2], $0x80, v3, vm0, $0xb8;
	[tilespmem:$0x18800] =	vst v63  }
0x111: {  	_ = 	snop  }
0x112: {  	[tilespmem:s25], [sflag:$0x1] =	stream.indirect_vreg.gather [hbm4b:s10+s2], $0x80, v3, vm0, $0xb8;
	[tilespmem:$0x18800] =	vst v63  }
0x113: {  	v3 =	vld [tilespmem:$0x110];
	_ =	sdelay $0x4  }
0x114: {  	v37 =	vshrl.u32 v3, $0x3  }
0x115: {  	v4 =	vmul.u32 $0x30, v37  }
0x116: {  	v3 =	vand.u32 $0x7, v3  }
0x117: {  	v3 =	vor.u32 v3, v4  }
0x118: {  	v4 =	vperm.xlane v3, v0;
	_ =	sdelay $0x1  }
0x119: {  	v4 =	vadd.s32 v1, v4;
	_ =	sdelay $0x3  }
0x11a: {  	v3 =	vperm.xlane v3, v2  }
0x11b: {  	[tilespmem:s26], [sflag:$0x1] =	stream.indirect_vreg.gather [hbm4b:s3+s2], $0x80, v4, vm0, $0xb8;
	[tilespmem:$0x18800] =	vst v63  }
0x11c: {  	v3 =	vadd.s32 v1, v3  }
0x11d: {  	[tilespmem:s21], [sflag:$0x1] =	stream.indirect_vreg.gather [hbm4b:s8+s2], $0x80, v4, vm0, $0xb8;
	[tilespmem:$0x18800] =	vst v63  }
0x11e: {  	_ = 	snop  }
0x11f: {  	[tilespmem:s22], [sflag:$0x1] =	stream.indirect_vreg.gather [hbm4b:s10+s2], $0x80, v4, vm0, $0xb8;
	[tilespmem:$0x18800] =	vst v63  }
0x120: {  	_ = 	snop  }
0x121: {  	[tilespmem:s23], [sflag:$0x1] =	stream.indirect_vreg.gather [hbm4b:s3+s2], $0x80, v3, vm0, $0xb8;
	[tilespmem:$0x18800] =	vst v63  }
0x122: {  	_ = 	snop  }
0x123: {  	[tilespmem:s24], [sflag:$0x1] =	stream.indirect_vreg.gather [hbm4b:s8+s2], $0x80, v3, vm0, $0xb8;
	[tilespmem:$0x18800] =	vst v63  }
0x124: {  	_ = 	snop  }
0x125: {  	[tilespmem:s20], [sflag:$0x1] =	stream.indirect_vreg.gather [hbm4b:s10+s2], $0x80, v3, vm0, $0xb8;
	[tilespmem:$0x18800] =	vst v63  }
0x126: {  	v3 =	vld [tilespmem:$0x120];
	_ =	sdelay $0x4  }
0x127: {  	v38 =	vshrl.u32 v3, $0x3  }
0x128: {  	v4 =	vmul.u32 $0x30, v38  }
0x129: {  	v3 =	vand.u32 $0x7, v3  }
0x12a: {  	v3 =	vor.u32 v3, v4  }
0x12b: {  	v4 =	vperm.xlane v3, v0;
	_ =	sdelay $0x1  }
0x12c: {  	v4 =	vadd.s32 v1, v4;
	_ =	sdelay $0x3  }
0x12d: {  	v3 =	vperm.xlane v3, v2  }
0x12e: {  	[tilespmem:s5], [sflag:$0x1] =	stream.indirect_vreg.gather [hbm4b:s3+s2], $0x80, v4, vm0, $0xb8;
	[tilespmem:$0x18800] =	vst v63  }
0x12f: {  	v3 =	vadd.s32 v1, v3  }
0x130: {  	[tilespmem:s28], [sflag:$0x1] =	stream.indirect_vreg.gather [hbm4b:s8+s2], $0x80, v4, vm0, $0xb8;
	[tilespmem:$0x18800] =	vst v63  }
0x131: {  	_ = 	snop  }
0x132: {  	[tilespmem:s29], [sflag:$0x1] =	stream.indirect_vreg.gather [hbm4b:s10+s2], $0x80, v4, vm0, $0xb8;
	[tilespmem:$0x18800] =	vst v63  }
0x133: {  	_ = 	snop  }
0x134: {  	[tilespmem:s30], [sflag:$0x1] =	stream.indirect_vreg.gather [hbm4b:s3+s2], $0x80, v3, vm0, $0xb8;
	[tilespmem:$0x18800] =	vst v63  }
0x135: {  	_ = 	snop  }
0x136: {  	[tilespmem:s31], [sflag:$0x1] =	stream.indirect_vreg.gather [hbm4b:s8+s2], $0x80, v3, vm0, $0xb8;
	[tilespmem:$0x18800] =	vst v63  }
0x137: {  	_ = 	snop  }
0x138: {  	[tilespmem:s6], [sflag:$0x1] =	stream.indirect_vreg.gather [hbm4b:s10+s2], $0x80, v3, vm0, $0xb8;
	[tilespmem:$0x18800] =	vst v63  }
0x139: {  	v3 =	vld [tilespmem:$0x130];
	_ =	sdelay $0x4  }
0x13a: {  	v39 =	vshrl.u32 v3, $0x3  }
0x13b: {  	v4 =	vmul.u32 $0x30, v39  }
0x13c: {  	v3 =	vand.u32 $0x7, v3  }
0x13d: {  	v3 =	vor.u32 v3, v4  }
0x13e: {  	v4 =	vperm.xlane v3, v0;
	_ =	sdelay $0x1  }
0x13f: {  	v4 =	vadd.s32 v1, v4;
	_ =	sdelay $0x3  }
0x140: {  	v3 =	vperm.xlane v3, v2  }
0x141: {  	[tilespmem:s19], [sflag:$0x1] =	stream.indirect_vreg.gather [hbm4b:s3+s2], $0x80, v4, vm0, $0xb8;
	[tilespmem:$0x18800] =	vst v63  }
0x142: {  	v3 =	vadd.s32 v1, v3  }
0x143: {  	[tilespmem:s9], [sflag:$0x1] =	stream.indirect_vreg.gather [hbm4b:s8+s2], $0x80, v4, vm0, $0xb8;
	[tilespmem:$0x18800] =	vst v63  }
0x144: {  	_ = 	snop  }
0x145: {  	[tilespmem:s11], [sflag:$0x1] =	stream.indirect_vreg.gather [hbm4b:s10+s2], $0x80, v4, vm0, $0xb8;
	[tilespmem:$0x18800] =	vst v63  }
0x146: {  	_ = 	snop  }
0x147: {  	[tilespmem:s7], [sflag:$0x1] =	stream.indirect_vreg.gather [hbm4b:s3+s2], $0x80, v3, vm0, $0xb8;
	[tilespmem:$0x18800] =	vst v63  }
0x148: {  	_ = 	snop  }
0x149: {  	[tilespmem:s1], [sflag:$0x1] =	stream.indirect_vreg.gather [hbm4b:s8+s2], $0x80, v3, vm0, $0xb8;
	[tilespmem:$0x18800] =	vst v63  }
0x14a: {  	s20 =	simm.s32 $0x2;
	s19 =	simm.s32 $0xC000  }
0x14b: {  	[tilespmem:s19], [sflag:$0x1] =	stream.indirect_vreg.gather [hbm4b:s10+s2], $0x80, v3, vm0, $0xb8;
	[tilespmem:$0x18800] =	vst v63  }
0x14c: {  	_ =	swait.ge [sflag:s20], $0xC000  }
0x14d: {  	[sflag:s20] =	ssyncset.done $0x0  }
0x14e: {  	[sflag:s20] =	ssyncadd.s32 $0xFFFF4000  }
0x14f: {  	v3 =	vld [tilespmem:$0x480];
	_ =	sdelay $0x4  }
0x150: {  	v40 =	vshrl.u32 v3, $0x3  }
0x151: {  	v4 =	vmul.u32 $0x30, v40  }
0x152: {  	v3 =	vand.u32 $0x7, v3  }
0x153: {  	v3 =	vor.u32 v3, v4  }
0x154: {  	v4 =	vperm.xlane v3, v0;
	_ =	sdelay $0x1  }
0x155: {  	v4 =	vadd.s32 v1, v4;
	_ =	sdelay $0x3  }
0x156: {  	s22 =	simm.s32 $0xC800;
	v3 =	vperm.xlane v3, v2  }
0x157: {  	[hbm4b:s4+s2] =	stream.indirect_vreg.scatter [tilespmem:s22], [sflag:$0x4], $0x80, v4, vm0, $0xb8;
	[tilespmem:$0x18800] =	vst v63  }
0x158: {  	s5 =	simm.s32 $0xD000;
	v3 =	vadd.s32 v1, v3  }
0x159: {  	[hbm4b:s12+s2] =	stream.indirect_vreg.scatter [tilespmem:s5], [sflag:$0x4], $0x80, v4, vm0, $0xb8;
	[tilespmem:$0x18800] =	vst v63  }
0x15a: {  	s11 =	simm.s32 $0xD800  }
0x15b: {  	[hbm4b:s13+s2] =	stream.indirect_vreg.scatter [tilespmem:s11], [sflag:$0x4], $0x80, v4, vm0, $0xb8;
	[tilespmem:$0x18800] =	vst v63  }
0x15c: {  	s14 =	simm.s32 $0xE000  }
0x15d: {  	[hbm4b:s4+s2] =	stream.indirect_vreg.scatter [tilespmem:s14], [sflag:$0x4], $0x80, v3, vm0, $0xb8;
	[tilespmem:$0x18800] =	vst v63  }
0x15e: {  	s19 =	simm.s32 $0xE800  }
0x15f: {  	[hbm4b:s12+s2] =	stream.indirect_vreg.scatter [tilespmem:s19], [sflag:$0x4], $0x80, v3, vm0, $0xb8;
	[tilespmem:$0x18800] =	vst v63  }
0x160: {  	s23 =	simm.s32 $0xF000  }
0x161: {  	[hbm4b:s13+s2] =	stream.indirect_vreg.scatter [tilespmem:s23], [sflag:$0x4], $0x80, v3, vm0, $0xb8;
	[tilespmem:$0x18800] =	vst v63  }
0x162: {  	v3 =	vld [tilespmem:$0x490];
	_ =	sdelay $0x4  }
0x163: {  	v41 =	vshrl.u32 v3, $0x3  }
0x164: {  	v4 =	vmul.u32 $0x30, v41  }
0x165: {  	v3 =	vand.u32 $0x7, v3  }
0x166: {  	v3 =	vor.u32 v3, v4  }
0x167: {  	v4 =	vperm.xlane v3, v0;
	_ =	sdelay $0x1  }
0x168: {  	v4 =	vadd.s32 v1, v4;
	_ =	sdelay $0x3  }
0x169: {  	s24 =	simm.s32 $0xF800;
	v3 =	vperm.xlane v3, v2  }
0x16a: {  	[hbm4b:s4+s2] =	stream.indirect_vreg.scatter [tilespmem:s24], [sflag:$0x4], $0x80, v4, vm0, $0xb8;
	[tilespmem:$0x18800] =	vst v63  }
0x16b: {  	s30 =	simm.s32 $0x10000;
	v3 =	vadd.s32 v1, v3  }
0x16c: {  	[hbm4b:s12+s2] =	stream.indirect_vreg.scatter [tilespmem:s30], [sflag:$0x4], $0x80, v4, vm0, $0xb8;
	[tilespmem:$0x18800] =	vst v63  }
0x16d: {  	s31 =	simm.s32 $0x10800  }
0x16e: {  	[hbm4b:s13+s2] =	stream.indirect_vreg.scatter [tilespmem:s31], [sflag:$0x4], $0x80, v4, vm0, $0xb8;
	[tilespmem:$0x18800] =	vst v63  }
0x16f: {  	s21 =	simm.s32 $0x11000  }
0x170: {  	[hbm4b:s4+s2] =	stream.indirect_vreg.scatter [tilespmem:s21], [sflag:$0x4], $0x80, v3, vm0, $0xb8;
	[tilespmem:$0x18800] =	vst v63  }
0x171: {  	s1 =	simm.s32 $0x11800  }
0x172: {  	[hbm4b:s12+s2] =	stream.indirect_vreg.scatter [tilespmem:s1], [sflag:$0x4], $0x80, v3, vm0, $0xb8;
	[tilespmem:$0x18800] =	vst v63  }
0x173: {  	s25 =	simm.s32 $0x12000  }
0x174: {  	[hbm4b:s13+s2] =	stream.indirect_vreg.scatter [tilespmem:s25], [sflag:$0x4], $0x80, v3, vm0, $0xb8;
	[tilespmem:$0x18800] =	vst v63  }
0x175: {  	v3 =	vld [tilespmem:$0x4A0];
	_ =	sdelay $0x4  }
0x176: {  	v42 =	vshrl.u32 v3, $0x3  }
0x177: {  	v4 =	vmul.u32 $0x30, v42  }
0x178: {  	v3 =	vand.u32 $0x7, v3  }
0x179: {  	v3 =	vor.u32 v3, v4  }
0x17a: {  	v4 =	vperm.xlane v3, v0;
	_ =	sdelay $0x1  }
0x17b: {  	v4 =	vadd.s32 v1, v4;
	_ =	sdelay $0x3  }
0x17c: {  	s26 =	simm.s32 $0x12800;
	v3 =	vperm.xlane v3, v2  }
0x17d: {  	[hbm4b:s4+s2] =	stream.indirect_vreg.scatter [tilespmem:s26], [sflag:$0x4], $0x80, v4, vm0, $0xb8;
	[tilespmem:$0x18800] =	vst v63  }
0x17e: {  	s6 =	simm.s32 $0x13000;
	v3 =	vadd.s32 v1, v3  }
0x17f: {  	[hbm4b:s12+s2] =	stream.indirect_vreg.scatter [tilespmem:s6], [sflag:$0x4], $0x80, v4, vm0, $0xb8;
	[tilespmem:$0x18800] =	vst v63  }
0x180: {  	s7 =	simm.s32 $0x13800  }
0x181: {  	[hbm4b:s13+s2] =	stream.indirect_vreg.scatter [tilespmem:s7], [sflag:$0x4], $0x80, v4, vm0, $0xb8;
	[tilespmem:$0x18800] =	vst v63  }
0x182: {  	s9 =	simm.s32 $0x14000  }
0x183: {  	[hbm4b:s4+s2] =	stream.indirect_vreg.scatter [tilespmem:s9], [sflag:$0x4], $0x80, v3, vm0, $0xb8;
	[tilespmem:$0x18800] =	vst v63  }
0x184: {  	s15 =	simm.s32 $0x14800  }
0x185: {  	[hbm4b:s12+s2] =	stream.indirect_vreg.scatter [tilespmem:s15], [sflag:$0x4], $0x80, v3, vm0, $0xb8;
	[tilespmem:$0x18800] =	vst v63  }
0x186: {  	s28 =	simm.s32 $0x15000  }
0x187: {  	[hbm4b:s13+s2] =	stream.indirect_vreg.scatter [tilespmem:s28], [sflag:$0x4], $0x80, v3, vm0, $0xb8;
	[tilespmem:$0x18800] =	vst v63  }
0x188: {  	v3 =	vld [tilespmem:$0x4B0];
	_ =	sdelay $0x4  }
0x189: {  	v43 =	vshrl.u32 v3, $0x3  }
0x18a: {  	v4 =	vmul.u32 $0x30, v43  }
0x18b: {  	v3 =	vand.u32 $0x7, v3  }
0x18c: {  	v3 =	vor.u32 v3, v4  }
0x18d: {  	v4 =	vperm.xlane v3, v0;
	_ =	sdelay $0x1  }
0x18e: {  	v4 =	vadd.s32 v1, v4;
	_ =	sdelay $0x3  }
0x18f: {  	s29 =	simm.s32 $0x15800;
	v3 =	vperm.xlane v3, v2  }
0x190: {  	[hbm4b:s4+s2] =	stream.indirect_vreg.scatter [tilespmem:s29], [sflag:$0x4], $0x80, v4, vm0, $0xb8;
	[tilespmem:$0x18800] =	vst v63  }
0x191: {  	s16 =	simm.s32 $0x16000;
	v3 =	vadd.s32 v1, v3  }
0x192: {  	[hbm4b:s12+s2] =	stream.indirect_vreg.scatter [tilespmem:s16], [sflag:$0x4], $0x80, v4, vm0, $0xb8;
	[tilespmem:$0x18800] =	vst v63  }
0x193: {  	s17 =	simm.s32 $0x16800  }
0x194: {  	[hbm4b:s13+s2] =	stream.indirect_vreg.scatter [tilespmem:s17], [sflag:$0x4], $0x80, v4, vm0, $0xb8;
	[tilespmem:$0x18800] =	vst v63  }
0x195: {  	s18 =	simm.s32 $0x17000  }
0x196: {  	[hbm4b:s4+s2] =	stream.indirect_vreg.scatter [tilespmem:s18], [sflag:$0x4], $0x80, v3, vm0, $0xb8;
	[tilespmem:$0x18800] =	vst v63  }
0x197: {  	s20 =	simm.s32 $0x17800  }
0x198: {  	[hbm4b:s12+s2] =	stream.indirect_vreg.scatter [tilespmem:s20], [sflag:$0x4], $0x80, v3, vm0, $0xb8;
	[tilespmem:$0x18800] =	vst v63  }
0x199: {  	s0 =	simm.s32 $0x4;
	s21 =	simm.s32 $0x18000  }
0x19a: {  	[hbm4b:s13+s2] =	stream.indirect_vreg.scatter [tilespmem:s21], [sflag:$0x4], $0x80, v3, vm0, $0xb8;
	[tilespmem:$0x18800] =	vst v63  }
0x19b: {  	_ =	swait.ge [sflag:s0], $0xC000  }
0x19c: {  	[sflag:s0] =	ssyncset.done $0x0  }
0x19d: {  	[sflag:s0] =	ssyncadd.s32 $0xFFFF4000  }
0x19e: {  	v3 =	vld [tilespmem:$0x180];
	_ =	sdelay $0x4  }
0x19f: {  	v44 =	vshrl.u32 v3, $0x3  }
0x1a0: {  	v4 =	vmul.u32 $0x30, v44  }
0x1a1: {  	v3 =	vand.u32 $0x7, v3  }
0x1a2: {  	v3 =	vor.u32 v3, v4  }
0x1a3: {  	v4 =	vperm.xlane v3, v0;
	_ =	sdelay $0x1  }
0x1a4: {  	v4 =	vadd.s32 v1, v4;
	_ =	sdelay $0x3  }
0x1a5: {  	v3 =	vperm.xlane v3, v2  }
0x1a6: {  	[tilespmem:s22], [sflag:$0x2] =	stream.indirect_vreg.gather [hbm4b:s3+s2], $0x80, v4, vm0, $0xb8;
	[tilespmem:$0x18800] =	vst v63  }
0x1a7: {  	v3 =	vadd.s32 v1, v3  }
0x1a8: {  	[tilespmem:s5], [sflag:$0x2] =	stream.indirect_vreg.gather [hbm4b:s8+s2], $0x80, v4, vm0, $0xb8;
	[tilespmem:$0x18800] =	vst v63  }
0x1a9: {  	_ = 	snop  }
0x1aa: {  	[tilespmem:s11], [sflag:$0x2] =	stream.indirect_vreg.gather [hbm4b:s10+s2], $0x80, v4, vm0, $0xb8;
	[tilespmem:$0x18800] =	vst v63  }
0x1ab: {  	_ = 	snop  }
0x1ac: {  	[tilespmem:s14], [sflag:$0x2] =	stream.indirect_vreg.gather [hbm4b:s3+s2], $0x80, v3, vm0, $0xb8;
	[tilespmem:$0x18800] =	vst v63  }
0x1ad: {  	_ = 	snop  }
0x1ae: {  	[tilespmem:s19], [sflag:$0x2] =	stream.indirect_vreg.gather [hbm4b:s8+s2], $0x80, v3, vm0, $0xb8;
	[tilespmem:$0x18800] =	vst v63  }
0x1af: {  	_ = 	snop  }
0x1b0: {  	[tilespmem:s23], [sflag:$0x2] =	stream.indirect_vreg.gather [hbm4b:s10+s2], $0x80, v3, vm0, $0xb8;
	[tilespmem:$0x18800] =	vst v63  }
0x1b1: {  	v3 =	vld [tilespmem:$0x190];
	_ =	sdelay $0x4  }
0x1b2: {  	v45 =	vshrl.u32 v3, $0x3  }
0x1b3: {  	v4 =	vmul.u32 $0x30, v45  }
0x1b4: {  	v3 =	vand.u32 $0x7, v3  }
0x1b5: {  	v3 =	vor.u32 v3, v4  }
0x1b6: {  	v4 =	vperm.xlane v3, v0;
	_ =	sdelay $0x1  }
0x1b7: {  	v4 =	vadd.s32 v1, v4;
	_ =	sdelay $0x3  }
0x1b8: {  	v3 =	vperm.xlane v3, v2  }
0x1b9: {  	[tilespmem:s24], [sflag:$0x2] =	stream.indirect_vreg.gather [hbm4b:s3+s2], $0x80, v4, vm0, $0xb8;
	[tilespmem:$0x18800] =	vst v63  }
0x1ba: {  	v3 =	vadd.s32 v1, v3  }
0x1bb: {  	[tilespmem:s30], [sflag:$0x2] =	stream.indirect_vreg.gather [hbm4b:s8+s2], $0x80, v4, vm0, $0xb8;
	[tilespmem:$0x18800] =	vst v63  }
0x1bc: {  	_ = 	snop  }
0x1bd: {  	[tilespmem:s31], [sflag:$0x2] =	stream.indirect_vreg.gather [hbm4b:s10+s2], $0x80, v4, vm0, $0xb8;
	[tilespmem:$0x18800] =	vst v63  }
0x1be: {  	s24 =	simm.s32 $0x11000  }
0x1bf: {  	[tilespmem:s24], [sflag:$0x2] =	stream.indirect_vreg.gather [hbm4b:s3+s2], $0x80, v3, vm0, $0xb8;
	[tilespmem:$0x18800] =	vst v63  }
0x1c0: {  	_ = 	snop  }
0x1c1: {  	[tilespmem:s1], [sflag:$0x2] =	stream.indirect_vreg.gather [hbm4b:s8+s2], $0x80, v3, vm0, $0xb8;
	[tilespmem:$0x18800] =	vst v63  }
0x1c2: {  	_ = 	snop  }
0x1c3: {  	[tilespmem:s25], [sflag:$0x2] =	stream.indirect_vreg.gather [hbm4b:s10+s2], $0x80, v3, vm0, $0xb8;
	[tilespmem:$0x18800] =	vst v63  }
0x1c4: {  	v3 =	vld [tilespmem:$0x1A0];
	_ =	sdelay $0x4  }
0x1c5: {  	v46 =	vshrl.u32 v3, $0x3  }
0x1c6: {  	v4 =	vmul.u32 $0x30, v46  }
0x1c7: {  	v3 =	vand.u32 $0x7, v3  }
0x1c8: {  	v3 =	vor.u32 v3, v4  }
0x1c9: {  	v4 =	vperm.xlane v3, v0;
	_ =	sdelay $0x1  }
0x1ca: {  	v4 =	vadd.s32 v1, v4;
	_ =	sdelay $0x3  }
0x1cb: {  	v3 =	vperm.xlane v3, v2  }
0x1cc: {  	[tilespmem:s26], [sflag:$0x2] =	stream.indirect_vreg.gather [hbm4b:s3+s2], $0x80, v4, vm0, $0xb8;
	[tilespmem:$0x18800] =	vst v63  }
0x1cd: {  	v3 =	vadd.s32 v1, v3  }
0x1ce: {  	[tilespmem:s6], [sflag:$0x2] =	stream.indirect_vreg.gather [hbm4b:s8+s2], $0x80, v4, vm0, $0xb8;
	[tilespmem:$0x18800] =	vst v63  }
0x1cf: {  	_ = 	snop  }
0x1d0: {  	[tilespmem:s7], [sflag:$0x2] =	stream.indirect_vreg.gather [hbm4b:s10+s2], $0x80, v4, vm0, $0xb8;
	[tilespmem:$0x18800] =	vst v63  }
0x1d1: {  	_ = 	snop  }
0x1d2: {  	[tilespmem:s9], [sflag:$0x2] =	stream.indirect_vreg.gather [hbm4b:s3+s2], $0x80, v3, vm0, $0xb8;
	[tilespmem:$0x18800] =	vst v63  }
0x1d3: {  	_ = 	snop  }
0x1d4: {  	[tilespmem:s15], [sflag:$0x2] =	stream.indirect_vreg.gather [hbm4b:s8+s2], $0x80, v3, vm0, $0xb8;
	[tilespmem:$0x18800] =	vst v63  }
0x1d5: {  	_ = 	snop  }
0x1d6: {  	[tilespmem:s28], [sflag:$0x2] =	stream.indirect_vreg.gather [hbm4b:s10+s2], $0x80, v3, vm0, $0xb8;
	[tilespmem:$0x18800] =	vst v63  }
0x1d7: {  	v3 =	vld [tilespmem:$0x1B0];
	_ =	sdelay $0x4  }
0x1d8: {  	v47 =	vshrl.u32 v3, $0x3  }
0x1d9: {  	v4 =	vmul.u32 $0x30, v47  }
0x1da: {  	v3 =	vand.u32 $0x7, v3  }
0x1db: {  	v3 =	vor.u32 v3, v4  }
0x1dc: {  	v4 =	vperm.xlane v3, v0;
	_ =	sdelay $0x1  }
0x1dd: {  	v4 =	vadd.s32 v1, v4;
	_ =	sdelay $0x3  }
0x1de: {  	v3 =	vperm.xlane v3, v2  }
0x1df: {  	[tilespmem:s29], [sflag:$0x2] =	stream.indirect_vreg.gather [hbm4b:s3+s2], $0x80, v4, vm0, $0xb8;
	[tilespmem:$0x18800] =	vst v63  }
0x1e0: {  	v3 =	vadd.s32 v1, v3  }
0x1e1: {  	[tilespmem:s16], [sflag:$0x2] =	stream.indirect_vreg.gather [hbm4b:s8+s2], $0x80, v4, vm0, $0xb8;
	[tilespmem:$0x18800] =	vst v63  }
0x1e2: {  	_ = 	snop  }
0x1e3: {  	[tilespmem:s17], [sflag:$0x2] =	stream.indirect_vreg.gather [hbm4b:s10+s2], $0x80, v4, vm0, $0xb8;
	[tilespmem:$0x18800] =	vst v63  }
0x1e4: {  	_ = 	snop  }
0x1e5: {  	[tilespmem:s18], [sflag:$0x2] =	stream.indirect_vreg.gather [hbm4b:s3+s2], $0x80, v3, vm0, $0xb8;
	[tilespmem:$0x18800] =	vst v63  }
0x1e6: {  	_ = 	snop  }
0x1e7: {  	[tilespmem:s20], [sflag:$0x2] =	stream.indirect_vreg.gather [hbm4b:s8+s2], $0x80, v3, vm0, $0xb8;
	[tilespmem:$0x18800] =	vst v63  }
0x1e8: {  	s28 =	simm.s32 $0x1  }
0x1e9: {  	[tilespmem:s21], [sflag:$0x2] =	stream.indirect_vreg.gather [hbm4b:s10+s2], $0x80, v3, vm0, $0xb8;
	[tilespmem:$0x18800] =	vst v63  }
0x1ea: {  	_ =	swait.ge [sflag:s28], $0xC000  }
0x1eb: {  	[sflag:s28] =	ssyncset.done $0x0  }
0x1ec: {  	[sflag:s28] =	ssyncadd.s32 $0xFFFF4000  }
0x1ed: {  	v3 =	vld [tilespmem:$0x500];
	_ =	sdelay $0x4  }
0x1ee: {  	v48 =	vshrl.u32 v3, $0x3  }
0x1ef: {  	v4 =	vmul.u32 $0x30, v48  }
0x1f0: {  	v3 =	vand.u32 $0x7, v3  }
0x1f1: {  	v3 =	vor.u32 v3, v4  }
0x1f2: {  	v4 =	vperm.xlane v3, v0;
	_ =	sdelay $0x1  }
0x1f3: {  	v4 =	vadd.s32 v1, v4;
	_ =	sdelay $0x3  }
0x1f4: {  	s29 =	simm.s32 $0x800;
	v3 =	vperm.xlane v3, v2  }
0x1f5: {  	[hbm4b:s4+s2] =	stream.indirect_vreg.scatter [tilespmem:s29], [sflag:$0x3], $0x80, v4, vm0, $0xb8;
	[tilespmem:$0x18800] =	vst v63  }
0x1f6: {  	s11 =	simm.s32 $0x1000;
	v3 =	vadd.s32 v1, v3  }
0x1f7: {  	[hbm4b:s12+s2] =	stream.indirect_vreg.scatter [tilespmem:s11], [sflag:$0x3], $0x80, v4, vm0, $0xb8;
	[tilespmem:$0x18800] =	vst v63  }
0x1f8: {  	s14 =	simm.s32 $0x1800  }
0x1f9: {  	[hbm4b:s13+s2] =	stream.indirect_vreg.scatter [tilespmem:s14], [sflag:$0x3], $0x80, v4, vm0, $0xb8;
	[tilespmem:$0x18800] =	vst v63  }
0x1fa: {  	s15 =	simm.s32 $0x2000  }
0x1fb: {  	[hbm4b:s4+s2] =	stream.indirect_vreg.scatter [tilespmem:s15], [sflag:$0x3], $0x80, v3, vm0, $0xb8;
	[tilespmem:$0x18800] =	vst v63  }
0x1fc: {  	s16 =	simm.s32 $0x2800  }
0x1fd: {  	[hbm4b:s12+s2] =	stream.indirect_vreg.scatter [tilespmem:s16], [sflag:$0x3], $0x80, v3, vm0, $0xb8;
	[tilespmem:$0x18800] =	vst v63  }
0x1fe: {  	s23 =	simm.s32 $0x3000  }
0x1ff: {  	[hbm4b:s13+s2] =	stream.indirect_vreg.scatter [tilespmem:s23], [sflag:$0x3], $0x80, v3, vm0, $0xb8;
	[tilespmem:$0x18800] =	vst v63  }
0x200: {  	v3 =	vld [tilespmem:$0x510];
	_ =	sdelay $0x4  }
0x201: {  	v49 =	vshrl.u32 v3, $0x3  }
0x202: {  	v4 =	vmul.u32 $0x30, v49  }
0x203: {  	v3 =	vand.u32 $0x7, v3  }
0x204: {  	v3 =	vor.u32 v3, v4  }
0x205: {  	v4 =	vperm.xlane v3, v0;
	_ =	sdelay $0x1  }
0x206: {  	v4 =	vadd.s32 v1, v4;
	_ =	sdelay $0x3  }
0x207: {  	s24 =	simm.s32 $0x3800;
	v3 =	vperm.xlane v3, v2  }
0x208: {  	[hbm4b:s4+s2] =	stream.indirect_vreg.scatter [tilespmem:s24], [sflag:$0x3], $0x80, v4, vm0, $0xb8;
	[tilespmem:$0x18800] =	vst v63  }
0x209: {  	s18 =	simm.s32 $0x4000;
	v3 =	vadd.s32 v1, v3  }
0x20a: {  	[hbm4b:s12+s2] =	stream.indirect_vreg.scatter [tilespmem:s18], [sflag:$0x3], $0x80, v4, vm0, $0xb8;
	[tilespmem:$0x18800] =	vst v63  }
0x20b: {  	s19 =	simm.s32 $0x4800  }
0x20c: {  	[hbm4b:s13+s2] =	stream.indirect_vreg.scatter [tilespmem:s19], [sflag:$0x3], $0x80, v4, vm0, $0xb8;
	[tilespmem:$0x18800] =	vst v63  }
0x20d: {  	s20 =	simm.s32 $0x5000  }
0x20e: {  	[hbm4b:s4+s2] =	stream.indirect_vreg.scatter [tilespmem:s20], [sflag:$0x3], $0x80, v3, vm0, $0xb8;
	[tilespmem:$0x18800] =	vst v63  }
0x20f: {  	s22 =	simm.s32 $0x5800  }
0x210: {  	[hbm4b:s12+s2] =	stream.indirect_vreg.scatter [tilespmem:s22], [sflag:$0x3], $0x80, v3, vm0, $0xb8;
	[tilespmem:$0x18800] =	vst v63  }
0x211: {  	s31 =	simm.s32 $0x6000  }
0x212: {  	[hbm4b:s13+s2] =	stream.indirect_vreg.scatter [tilespmem:s31], [sflag:$0x3], $0x80, v3, vm0, $0xb8;
	[tilespmem:$0x18800] =	vst v63  }
0x213: {  	v3 =	vld [tilespmem:$0x520];
	_ =	sdelay $0x4  }
0x214: {  	v50 =	vshrl.u32 v3, $0x3  }
0x215: {  	v4 =	vmul.u32 $0x30, v50  }
0x216: {  	v3 =	vand.u32 $0x7, v3  }
0x217: {  	v3 =	vor.u32 v3, v4  }
0x218: {  	v4 =	vperm.xlane v3, v0;
	_ =	sdelay $0x1  }
0x219: {  	v4 =	vadd.s32 v1, v4;
	_ =	sdelay $0x3  }
0x21a: {  	s21 =	simm.s32 $0x6800;
	v3 =	vperm.xlane v3, v2  }
0x21b: {  	[hbm4b:s4+s2] =	stream.indirect_vreg.scatter [tilespmem:s21], [sflag:$0x3], $0x80, v4, vm0, $0xb8;
	[tilespmem:$0x18800] =	vst v63  }
0x21c: {  	s25 =	simm.s32 $0x7000;
	v3 =	vadd.s32 v1, v3  }
0x21d: {  	[hbm4b:s12+s2] =	stream.indirect_vreg.scatter [tilespmem:s25], [sflag:$0x3], $0x80, v4, vm0, $0xb8;
	[tilespmem:$0x18800] =	vst v63  }
0x21e: {  	s26 =	simm.s32 $0x7800  }
0x21f: {  	[hbm4b:s13+s2] =	stream.indirect_vreg.scatter [tilespmem:s26], [sflag:$0x3], $0x80, v4, vm0, $0xb8;
	[tilespmem:$0x18800] =	vst v63  }
0x220: {  	s28 =	simm.s32 $0x8000  }
0x221: {  	[hbm4b:s4+s2] =	stream.indirect_vreg.scatter [tilespmem:s28], [sflag:$0x3], $0x80, v3, vm0, $0xb8;
	[tilespmem:$0x18800] =	vst v63  }
0x222: {  	s30 =	simm.s32 $0x8800  }
0x223: {  	[hbm4b:s12+s2] =	stream.indirect_vreg.scatter [tilespmem:s30], [sflag:$0x3], $0x80, v3, vm0, $0xb8;
	[tilespmem:$0x18800] =	vst v63  }
0x224: {  	s6 =	simm.s32 $0x9000  }
0x225: {  	[hbm4b:s13+s2] =	stream.indirect_vreg.scatter [tilespmem:s6], [sflag:$0x3], $0x80, v3, vm0, $0xb8;
	[tilespmem:$0x18800] =	vst v63  }
0x226: {  	v3 =	vld [tilespmem:$0x530];
	_ =	sdelay $0x4  }
0x227: {  	v51 =	vshrl.u32 v3, $0x3  }
0x228: {  	v4 =	vmul.u32 $0x30, v51  }
0x229: {  	v3 =	vand.u32 $0x7, v3  }
0x22a: {  	v3 =	vor.u32 v3, v4  }
0x22b: {  	v4 =	vperm.xlane v3, v0;
	_ =	sdelay $0x1  }
0x22c: {  	v4 =	vadd.s32 v1, v4;
	_ =	sdelay $0x3  }
0x22d: {  	s17 =	simm.s32 $0x9800;
	v3 =	vperm.xlane v3, v2  }
0x22e: {  	[hbm4b:s4+s2] =	stream.indirect_vreg.scatter [tilespmem:s17], [sflag:$0x3], $0x80, v4, vm0, $0xb8;
	[tilespmem:$0x18800] =	vst v63  }
0x22f: {  	s7 =	simm.s32 $0xA000;
	v3 =	vadd.s32 v1, v3  }
0x230: {  	[hbm4b:s12+s2] =	stream.indirect_vreg.scatter [tilespmem:s7], [sflag:$0x3], $0x80, v4, vm0, $0xb8;
	[tilespmem:$0x18800] =	vst v63  }
0x231: {  	s9 =	simm.s32 $0xA800  }
0x232: {  	[hbm4b:s13+s2] =	stream.indirect_vreg.scatter [tilespmem:s9], [sflag:$0x3], $0x80, v4, vm0, $0xb8;
	[tilespmem:$0x18800] =	vst v63  }
0x233: {  	s0 =	simm.s32 $0xB000  }
0x234: {  	[hbm4b:s4+s2] =	stream.indirect_vreg.scatter [tilespmem:s0], [sflag:$0x3], $0x80, v3, vm0, $0xb8;
	[tilespmem:$0x18800] =	vst v63  }
0x235: {  	s1 =	simm.s32 $0xB800  }
0x236: {  	[hbm4b:s12+s2] =	stream.indirect_vreg.scatter [tilespmem:s1], [sflag:$0x3], $0x80, v3, vm0, $0xb8;
	[tilespmem:$0x18800] =	vst v63  }
0x237: {  	s5 =	simm.s32 $0xC000  }
0x238: {  	[hbm4b:s13+s2] =	stream.indirect_vreg.scatter [tilespmem:s5], [sflag:$0x3], $0x80, v3, vm0, $0xb8;
	[tilespmem:$0x18800] =	vst v63  }
0x239: {  	s5 =	simm.s32 $0x3  }
0x23a: {  	_ =	swait.ge [sflag:s5], $0xC000  }
0x23b: {  	[sflag:s5] =	ssyncset.done $0x0  }
0x23c: {  	[sflag:s5] =	ssyncadd.s32 $0xFFFF4000  }
0x23d: {  	v3 =	vld [tilespmem:$0x200];
	_ =	sdelay $0x4  }
0x23e: {  	v52 =	vshrl.u32 v3, $0x3  }
0x23f: {  	v4 =	vmul.u32 $0x30, v52  }
0x240: {  	v3 =	vand.u32 $0x7, v3  }
0x241: {  	v3 =	vor.u32 v3, v4  }
0x242: {  	v4 =	vperm.xlane v3, v0;
	_ =	sdelay $0x1  }
0x243: {  	v4 =	vadd.s32 v1, v4;
	_ =	sdelay $0x3  }
0x244: {  	v3 =	vperm.xlane v3, v2  }
0x245: {  	[tilespmem:s29], [sflag:$0x1] =	stream.indirect_vreg.gather [hbm4b:s3+s2], $0x80, v4, vm0, $0xb8;
	[tilespmem:$0x18800] =	vst v63  }
0x246: {  	v3 =	vadd.s32 v1, v3  }
0x247: {  	[tilespmem:s11], [sflag:$0x1] =	stream.indirect_vreg.gather [hbm4b:s8+s2], $0x80, v4, vm0, $0xb8;
	[tilespmem:$0x18800] =	vst v63  }
0x248: {  	_ = 	snop  }
0x249: {  	[tilespmem:s14], [sflag:$0x1] =	stream.indirect_vreg.gather [hbm4b:s10+s2], $0x80, v4, vm0, $0xb8;
	[tilespmem:$0x18800] =	vst v63  }
0x24a: {  	_ = 	snop  }
0x24b: {  	[tilespmem:s15], [sflag:$0x1] =	stream.indirect_vreg.gather [hbm4b:s3+s2], $0x80, v3, vm0, $0xb8;
	[tilespmem:$0x18800] =	vst v63  }
0x24c: {  	_ = 	snop  }
0x24d: {  	[tilespmem:s16], [sflag:$0x1] =	stream.indirect_vreg.gather [hbm4b:s8+s2], $0x80, v3, vm0, $0xb8;
	[tilespmem:$0x18800] =	vst v63  }
0x24e: {  	_ = 	snop  }
0x24f: {  	[tilespmem:s23], [sflag:$0x1] =	stream.indirect_vreg.gather [hbm4b:s10+s2], $0x80, v3, vm0, $0xb8;
	[tilespmem:$0x18800] =	vst v63  }
0x250: {  	v3 =	vld [tilespmem:$0x210];
	_ =	sdelay $0x4  }
0x251: {  	v53 =	vshrl.u32 v3, $0x3  }
0x252: {  	v4 =	vmul.u32 $0x30, v53  }
0x253: {  	v3 =	vand.u32 $0x7, v3  }
0x254: {  	v3 =	vor.u32 v3, v4  }
0x255: {  	v4 =	vperm.xlane v3, v0;
	_ =	sdelay $0x1  }
0x256: {  	v4 =	vadd.s32 v1, v4;
	_ =	sdelay $0x3  }
0x257: {  	v3 =	vperm.xlane v3, v2  }
0x258: {  	[tilespmem:s24], [sflag:$0x1] =	stream.indirect_vreg.gather [hbm4b:s3+s2], $0x80, v4, vm0, $0xb8;
	[tilespmem:$0x18800] =	vst v63  }
0x259: {  	v3 =	vadd.s32 v1, v3  }
0x25a: {  	[tilespmem:s18], [sflag:$0x1] =	stream.indirect_vreg.gather [hbm4b:s8+s2], $0x80, v4, vm0, $0xb8;
	[tilespmem:$0x18800] =	vst v63  }
0x25b: {  	_ = 	snop  }
0x25c: {  	[tilespmem:s19], [sflag:$0x1] =	stream.indirect_vreg.gather [hbm4b:s10+s2], $0x80, v4, vm0, $0xb8;
	[tilespmem:$0x18800] =	vst v63  }
0x25d: {  	_ = 	snop  }
0x25e: {  	[tilespmem:s20], [sflag:$0x1] =	stream.indirect_vreg.gather [hbm4b:s3+s2], $0x80, v3, vm0, $0xb8;
	[tilespmem:$0x18800] =	vst v63  }
0x25f: {  	_ = 	snop  }
0x260: {  	[tilespmem:s22], [sflag:$0x1] =	stream.indirect_vreg.gather [hbm4b:s8+s2], $0x80, v3, vm0, $0xb8;
	[tilespmem:$0x18800] =	vst v63  }
0x261: {  	_ = 	snop  }
0x262: {  	[tilespmem:s31], [sflag:$0x1] =	stream.indirect_vreg.gather [hbm4b:s10+s2], $0x80, v3, vm0, $0xb8;
	[tilespmem:$0x18800] =	vst v63  }
0x263: {  	v3 =	vld [tilespmem:$0x220];
	_ =	sdelay $0x4  }
0x264: {  	v54 =	vshrl.u32 v3, $0x3  }
0x265: {  	v4 =	vmul.u32 $0x30, v54  }
0x266: {  	v3 =	vand.u32 $0x7, v3  }
0x267: {  	v3 =	vor.u32 v3, v4  }
0x268: {  	v4 =	vperm.xlane v3, v0;
	_ =	sdelay $0x1  }
0x269: {  	v4 =	vadd.s32 v1, v4;
	_ =	sdelay $0x3  }
0x26a: {  	v3 =	vperm.xlane v3, v2  }
0x26b: {  	[tilespmem:s21], [sflag:$0x1] =	stream.indirect_vreg.gather [hbm4b:s3+s2], $0x80, v4, vm0, $0xb8;
	[tilespmem:$0x18800] =	vst v63  }
0x26c: {  	v3 =	vadd.s32 v1, v3  }
0x26d: {  	[tilespmem:s25], [sflag:$0x1] =	stream.indirect_vreg.gather [hbm4b:s8+s2], $0x80, v4, vm0, $0xb8;
	[tilespmem:$0x18800] =	vst v63  }
0x26e: {  	_ = 	snop  }
0x26f: {  	[tilespmem:s26], [sflag:$0x1] =	stream.indirect_vreg.gather [hbm4b:s10+s2], $0x80, v4, vm0, $0xb8;
	[tilespmem:$0x18800] =	vst v63  }
0x270: {  	_ = 	snop  }
0x271: {  	[tilespmem:s28], [sflag:$0x1] =	stream.indirect_vreg.gather [hbm4b:s3+s2], $0x80, v3, vm0, $0xb8;
	[tilespmem:$0x18800] =	vst v63  }
0x272: {  	_ = 	snop  }
0x273: {  	[tilespmem:s30], [sflag:$0x1] =	stream.indirect_vreg.gather [hbm4b:s8+s2], $0x80, v3, vm0, $0xb8;
	[tilespmem:$0x18800] =	vst v63  }
0x274: {  	_ = 	snop  }
0x275: {  	[tilespmem:s6], [sflag:$0x1] =	stream.indirect_vreg.gather [hbm4b:s10+s2], $0x80, v3, vm0, $0xb8;
	[tilespmem:$0x18800] =	vst v63  }
0x276: {  	v3 =	vld [tilespmem:$0x230];
	_ =	sdelay $0x4  }
0x277: {  	v55 =	vshrl.u32 v3, $0x3  }
0x278: {  	v4 =	vmul.u32 $0x30, v55  }
0x279: {  	v3 =	vand.u32 $0x7, v3  }
0x27a: {  	v3 =	vor.u32 v3, v4  }
0x27b: {  	v4 =	vperm.xlane v3, v0;
	_ =	sdelay $0x1  }
0x27c: {  	v4 =	vadd.s32 v1, v4;
	_ =	sdelay $0x3  }
0x27d: {  	v3 =	vperm.xlane v3, v2  }
0x27e: {  	[tilespmem:s17], [sflag:$0x1] =	stream.indirect_vreg.gather [hbm4b:s3+s2], $0x80, v4, vm0, $0xb8;
	[tilespmem:$0x18800] =	vst v63  }
0x27f: {  	v3 =	vadd.s32 v1, v3  }
0x280: {  	[tilespmem:s7], [sflag:$0x1] =	stream.indirect_vreg.gather [hbm4b:s8+s2], $0x80, v4, vm0, $0xb8;
	[tilespmem:$0x18800] =	vst v63  }
0x281: {  	_ = 	snop  }
0x282: {  	[tilespmem:s9], [sflag:$0x1] =	stream.indirect_vreg.gather [hbm4b:s10+s2], $0x80, v4, vm0, $0xb8;
	[tilespmem:$0x18800] =	vst v63  }
0x283: {  	_ = 	snop  }
0x284: {  	[tilespmem:s0], [sflag:$0x1] =	stream.indirect_vreg.gather [hbm4b:s3+s2], $0x80, v3, vm0, $0xb8;
	[tilespmem:$0x18800] =	vst v63  }
0x285: {  	_ = 	snop  }
0x286: {  	[tilespmem:s1], [sflag:$0x1] =	stream.indirect_vreg.gather [hbm4b:s8+s2], $0x80, v3, vm0, $0xb8;
	[tilespmem:$0x18800] =	vst v63  }
0x287: {  	s29 =	simm.s32 $0xC000;
	s21 =	simm.s32 $0x2  }
0x288: {  	[tilespmem:s29], [sflag:$0x1] =	stream.indirect_vreg.gather [hbm4b:s10+s2], $0x80, v3, vm0, $0xb8;
	[tilespmem:$0x18800] =	vst v63  }
0x289: {  	_ =	swait.ge [sflag:s21], $0xC000  }
0x28a: {  	[sflag:s21] =	ssyncset.done $0x0  }
0x28b: {  	[sflag:s21] =	ssyncadd.s32 $0xFFFF4000  }
0x28c: {  	v3 =	vld [tilespmem:$0x580];
	_ =	sdelay $0x4  }
0x28d: {  	v56 =	vshrl.u32 v3, $0x3  }
0x28e: {  	v4 =	vmul.u32 $0x30, v56  }
0x28f: {  	v3 =	vand.u32 $0x7, v3  }
0x290: {  	v3 =	vor.u32 v3, v4  }
0x291: {  	v4 =	vperm.xlane v3, v0;
	_ =	sdelay $0x1  }
0x292: {  	v4 =	vadd.s32 v1, v4;
	_ =	sdelay $0x3  }
0x293: {  	s21 =	simm.s32 $0xC800;
	v3 =	vperm.xlane v3, v2  }
0x294: {  	[hbm4b:s4+s2] =	stream.indirect_vreg.scatter [tilespmem:s21], [sflag:$0x4], $0x80, v4, vm0, $0xb8;
	[tilespmem:$0x18800] =	vst v63  }
0x295: {  	v3 =	vadd.s32 v1, v3;
	s21 =	simm.s32 $0xD000  }
0x296: {  	[hbm4b:s12+s2] =	stream.indirect_vreg.scatter [tilespmem:s21], [sflag:$0x4], $0x80, v4, vm0, $0xb8;
	[tilespmem:$0x18800] =	vst v63  }
0x297: {  	s21 =	simm.s32 $0xD800  }
0x298: {  	[hbm4b:s13+s2] =	stream.indirect_vreg.scatter [tilespmem:s21], [sflag:$0x4], $0x80, v4, vm0, $0xb8;
	[tilespmem:$0x18800] =	vst v63  }
0x299: {  	s21 =	simm.s32 $0xE000  }
0x29a: {  	[hbm4b:s4+s2] =	stream.indirect_vreg.scatter [tilespmem:s21], [sflag:$0x4], $0x80, v3, vm0, $0xb8;
	[tilespmem:$0x18800] =	vst v63  }
0x29b: {  	s21 =	simm.s32 $0xE800  }
0x29c: {  	[hbm4b:s12+s2] =	stream.indirect_vreg.scatter [tilespmem:s21], [sflag:$0x4], $0x80, v3, vm0, $0xb8;
	[tilespmem:$0x18800] =	vst v63  }
0x29d: {  	s21 =	simm.s32 $0xF000  }
0x29e: {  	[hbm4b:s13+s2] =	stream.indirect_vreg.scatter [tilespmem:s21], [sflag:$0x4], $0x80, v3, vm0, $0xb8;
	[tilespmem:$0x18800] =	vst v63  }
0x29f: {  	v3 =	vld [tilespmem:$0x590];
	_ =	sdelay $0x4  }
0x2a0: {  	v57 =	vshrl.u32 v3, $0x3  }
0x2a1: {  	v4 =	vmul.u32 $0x30, v57  }
0x2a2: {  	v3 =	vand.u32 $0x7, v3  }
0x2a3: {  	v3 =	vor.u32 v3, v4  }
0x2a4: {  	v4 =	vperm.xlane v3, v0;
	_ =	sdelay $0x1  }
0x2a5: {  	v4 =	vadd.s32 v1, v4;
	_ =	sdelay $0x3  }
0x2a6: {  	s21 =	simm.s32 $0xF800;
	v3 =	vperm.xlane v3, v2  }
0x2a7: {  	[hbm4b:s4+s2] =	stream.indirect_vreg.scatter [tilespmem:s21], [sflag:$0x4], $0x80, v4, vm0, $0xb8;
	[tilespmem:$0x18800] =	vst v63  }
0x2a8: {  	v3 =	vadd.s32 v1, v3;
	s21 =	simm.s32 $0x10000  }
0x2a9: {  	[hbm4b:s12+s2] =	stream.indirect_vreg.scatter [tilespmem:s21], [sflag:$0x4], $0x80, v4, vm0, $0xb8;
	[tilespmem:$0x18800] =	vst v63  }
0x2aa: {  	s21 =	simm.s32 $0x10800  }
0x2ab: {  	[hbm4b:s13+s2] =	stream.indirect_vreg.scatter [tilespmem:s21], [sflag:$0x4], $0x80, v4, vm0, $0xb8;
	[tilespmem:$0x18800] =	vst v63  }
0x2ac: {  	s21 =	simm.s32 $0x11000  }
0x2ad: {  	[hbm4b:s4+s2] =	stream.indirect_vreg.scatter [tilespmem:s21], [sflag:$0x4], $0x80, v3, vm0, $0xb8;
	[tilespmem:$0x18800] =	vst v63  }
0x2ae: {  	s21 =	simm.s32 $0x11800  }
0x2af: {  	[hbm4b:s12+s2] =	stream.indirect_vreg.scatter [tilespmem:s21], [sflag:$0x4], $0x80, v3, vm0, $0xb8;
	[tilespmem:$0x18800] =	vst v63  }
0x2b0: {  	s21 =	simm.s32 $0x12000  }
0x2b1: {  	[hbm4b:s13+s2] =	stream.indirect_vreg.scatter [tilespmem:s21], [sflag:$0x4], $0x80, v3, vm0, $0xb8;
	[tilespmem:$0x18800] =	vst v63  }
0x2b2: {  	v3 =	vld [tilespmem:$0x5A0];
	_ =	sdelay $0x4  }
0x2b3: {  	v58 =	vshrl.u32 v3, $0x3  }
0x2b4: {  	v4 =	vmul.u32 $0x30, v58  }
0x2b5: {  	v3 =	vand.u32 $0x7, v3  }
0x2b6: {  	v3 =	vor.u32 v3, v4  }
0x2b7: {  	v4 =	vperm.xlane v3, v0;
	_ =	sdelay $0x1  }
0x2b8: {  	v4 =	vadd.s32 v1, v4;
	_ =	sdelay $0x3  }
0x2b9: {  	s21 =	simm.s32 $0x12800;
	v3 =	vperm.xlane v3, v2  }
0x2ba: {  	[hbm4b:s4+s2] =	stream.indirect_vreg.scatter [tilespmem:s21], [sflag:$0x4], $0x80, v4, vm0, $0xb8;
	[tilespmem:$0x18800] =	vst v63  }
0x2bb: {  	v3 =	vadd.s32 v1, v3;
	s21 =	simm.s32 $0x13000  }
0x2bc: {  	[hbm4b:s12+s2] =	stream.indirect_vreg.scatter [tilespmem:s21], [sflag:$0x4], $0x80, v4, vm0, $0xb8;
	[tilespmem:$0x18800] =	vst v63  }
0x2bd: {  	s21 =	simm.s32 $0x13800  }
0x2be: {  	[hbm4b:s13+s2] =	stream.indirect_vreg.scatter [tilespmem:s21], [sflag:$0x4], $0x80, v4, vm0, $0xb8;
	[tilespmem:$0x18800] =	vst v63  }
0x2bf: {  	s21 =	simm.s32 $0x14000  }
0x2c0: {  	[hbm4b:s4+s2] =	stream.indirect_vreg.scatter [tilespmem:s21], [sflag:$0x4], $0x80, v3, vm0, $0xb8;
	[tilespmem:$0x18800] =	vst v63  }
0x2c1: {  	s21 =	simm.s32 $0x14800  }
0x2c2: {  	[hbm4b:s12+s2] =	stream.indirect_vreg.scatter [tilespmem:s21], [sflag:$0x4], $0x80, v3, vm0, $0xb8;
	[tilespmem:$0x18800] =	vst v63  }
0x2c3: {  	s21 =	simm.s32 $0x15000  }
0x2c4: {  	[hbm4b:s13+s2] =	stream.indirect_vreg.scatter [tilespmem:s21], [sflag:$0x4], $0x80, v3, vm0, $0xb8;
	[tilespmem:$0x18800] =	vst v63  }
0x2c5: {  	v3 =	vld [tilespmem:$0x5B0];
	_ =	sdelay $0x4  }
0x2c6: {  	v59 =	vshrl.u32 v3, $0x3  }
0x2c7: {  	v4 =	vmul.u32 $0x30, v59  }
0x2c8: {  	v3 =	vand.u32 $0x7, v3  }
0x2c9: {  	v3 =	vor.u32 v3, v4  }
0x2ca: {  	v4 =	vperm.xlane v3, v0;
	_ =	sdelay $0x1  }
0x2cb: {  	v4 =	vadd.s32 v1, v4;
	_ =	sdelay $0x3  }
0x2cc: {  	s21 =	simm.s32 $0x15800;
	v3 =	vperm.xlane v3, v2  }
0x2cd: {  	[hbm4b:s4+s2] =	stream.indirect_vreg.scatter [tilespmem:s21], [sflag:$0x4], $0x80, v4, vm0, $0xb8;
	[tilespmem:$0x18800] =	vst v63  }
0x2ce: {  	v3 =	vadd.s32 v1, v3;
	s21 =	simm.s32 $0x16000  }
0x2cf: {  	[hbm4b:s12+s2] =	stream.indirect_vreg.scatter [tilespmem:s21], [sflag:$0x4], $0x80, v4, vm0, $0xb8;
	[tilespmem:$0x18800] =	vst v63  }
0x2d0: {  	s21 =	simm.s32 $0x16800  }
0x2d1: {  	[hbm4b:s13+s2] =	stream.indirect_vreg.scatter [tilespmem:s21], [sflag:$0x4], $0x80, v4, vm0, $0xb8;
	[tilespmem:$0x18800] =	vst v63  }
0x2d2: {  	s21 =	simm.s32 $0x17000  }
0x2d3: {  	[hbm4b:s4+s2] =	stream.indirect_vreg.scatter [tilespmem:s21], [sflag:$0x4], $0x80, v3, vm0, $0xb8;
	[tilespmem:$0x18800] =	vst v63  }
0x2d4: {  	s21 =	simm.s32 $0x17800  }
0x2d5: {  	[hbm4b:s12+s2] =	stream.indirect_vreg.scatter [tilespmem:s21], [sflag:$0x4], $0x80, v3, vm0, $0xb8;
	[tilespmem:$0x18800] =	vst v63  }
0x2d6: {  	s21 =	simm.s32 $0x18000  }
0x2d7: {  	[hbm4b:s13+s2] =	stream.indirect_vreg.scatter [tilespmem:s21], [sflag:$0x4], $0x80, v3, vm0, $0xb8;
	[tilespmem:$0x18800] =	vst v63  }
0x2d8: {  	s21 =	simm.s32 $0x1  }
0x2d9: {  	_ =	swait.ge [sflag:s21], $0xC000  }
0x2da: {  	[sflag:s21] =	ssyncset.done $0x0  }
0x2db: {  	[sflag:s21] =	ssyncadd.s32 $0xFFFF4000  }
0x2dc: {  	v3 =	vld [tilespmem:$0x600];
	_ =	sdelay $0x4  }
0x2dd: {  	v60 =	vshrl.u32 v3, $0x3  }
0x2de: {  	v4 =	vmul.u32 $0x30, v60  }
0x2df: {  	v3 =	vand.u32 $0x7, v3  }
0x2e0: {  	v3 =	vor.u32 v3, v4  }
0x2e1: {  	v4 =	vperm.xlane v3, v0;
	_ =	sdelay $0x1  }
0x2e2: {  	v4 =	vadd.s32 v1, v4;
	_ =	sdelay $0x3  }
0x2e3: {  	s21 =	simm.s32 $0x800;
	v3 =	vperm.xlane v3, v2  }
0x2e4: {  	[hbm4b:s4+s2] =	stream.indirect_vreg.scatter [tilespmem:s21], [sflag:$0x3], $0x80, v4, vm0, $0xb8;
	[tilespmem:$0x18800] =	vst v63  }
0x2e5: {  	s11 =	simm.s32 $0x1000;
	v3 =	vadd.s32 v1, v3  }
0x2e6: {  	[hbm4b:s12+s2] =	stream.indirect_vreg.scatter [tilespmem:s11], [sflag:$0x3], $0x80, v4, vm0, $0xb8;
	[tilespmem:$0x18800] =	vst v63  }
0x2e7: {  	s14 =	simm.s32 $0x1800  }
0x2e8: {  	[hbm4b:s13+s2] =	stream.indirect_vreg.scatter [tilespmem:s14], [sflag:$0x3], $0x80, v4, vm0, $0xb8;
	[tilespmem:$0x18800] =	vst v63  }
0x2e9: {  	s15 =	simm.s32 $0x2000  }
0x2ea: {  	[hbm4b:s4+s2] =	stream.indirect_vreg.scatter [tilespmem:s15], [sflag:$0x3], $0x80, v3, vm0, $0xb8;
	[tilespmem:$0x18800] =	vst v63  }
0x2eb: {  	s16 =	simm.s32 $0x2800  }
0x2ec: {  	[hbm4b:s12+s2] =	stream.indirect_vreg.scatter [tilespmem:s16], [sflag:$0x3], $0x80, v3, vm0, $0xb8;
	[tilespmem:$0x18800] =	vst v63  }
0x2ed: {  	s23 =	simm.s32 $0x3000  }
0x2ee: {  	[hbm4b:s13+s2] =	stream.indirect_vreg.scatter [tilespmem:s23], [sflag:$0x3], $0x80, v3, vm0, $0xb8;
	[tilespmem:$0x18800] =	vst v63  }
0x2ef: {  	v3 =	vld [tilespmem:$0x610];
	_ =	sdelay $0x4  }
0x2f0: {  	v61 =	vshrl.u32 v3, $0x3  }
0x2f1: {  	v4 =	vmul.u32 $0x30, v61  }
0x2f2: {  	v3 =	vand.u32 $0x7, v3  }
0x2f3: {  	v3 =	vor.u32 v3, v4  }
0x2f4: {  	v4 =	vperm.xlane v3, v0;
	_ =	sdelay $0x1  }
0x2f5: {  	v4 =	vadd.s32 v1, v4;
	_ =	sdelay $0x3  }
0x2f6: {  	s24 =	simm.s32 $0x3800;
	v3 =	vperm.xlane v3, v2  }
0x2f7: {  	[hbm4b:s4+s2] =	stream.indirect_vreg.scatter [tilespmem:s24], [sflag:$0x3], $0x80, v4, vm0, $0xb8;
	[tilespmem:$0x18800] =	vst v63  }
0x2f8: {  	s18 =	simm.s32 $0x4000;
	v3 =	vadd.s32 v1, v3  }
0x2f9: {  	[hbm4b:s12+s2] =	stream.indirect_vreg.scatter [tilespmem:s18], [sflag:$0x3], $0x80, v4, vm0, $0xb8;
	[tilespmem:$0x18800] =	vst v63  }
0x2fa: {  	s19 =	simm.s32 $0x4800  }
0x2fb: {  	[hbm4b:s13+s2] =	stream.indirect_vreg.scatter [tilespmem:s19], [sflag:$0x3], $0x80, v4, vm0, $0xb8;
	[tilespmem:$0x18800] =	vst v63  }
0x2fc: {  	s20 =	simm.s32 $0x5000  }
0x2fd: {  	[hbm4b:s4+s2] =	stream.indirect_vreg.scatter [tilespmem:s20], [sflag:$0x3], $0x80, v3, vm0, $0xb8;
	[tilespmem:$0x18800] =	vst v63  }
0x2fe: {  	s22 =	simm.s32 $0x5800  }
0x2ff: {  	[hbm4b:s12+s2] =	stream.indirect_vreg.scatter [tilespmem:s22], [sflag:$0x3], $0x80, v3, vm0, $0xb8;
	[tilespmem:$0x18800] =	vst v63  }
0x300: {  	s31 =	simm.s32 $0x6000  }
0x301: {  	[hbm4b:s13+s2] =	stream.indirect_vreg.scatter [tilespmem:s31], [sflag:$0x3], $0x80, v3, vm0, $0xb8;
	[tilespmem:$0x18800] =	vst v63  }
0x302: {  	v3 =	vld [tilespmem:$0x620];
	_ =	sdelay $0x4  }
0x303: {  	v62 =	vshrl.u32 v3, $0x3  }
0x304: {  	v4 =	vmul.u32 $0x30, v62  }
0x305: {  	v3 =	vand.u32 $0x7, v3  }
0x306: {  	v3 =	vor.u32 v3, v4  }
0x307: {  	v4 =	vperm.xlane v3, v0;
	_ =	sdelay $0x1  }
0x308: {  	v4 =	vadd.s32 v1, v4;
	_ =	sdelay $0x3  }
0x309: {  	s24 =	simm.s32 $0x6800;
	v3 =	vperm.xlane v3, v2  }
0x30a: {  	[hbm4b:s4+s2] =	stream.indirect_vreg.scatter [tilespmem:s24], [sflag:$0x3], $0x80, v4, vm0, $0xb8;
	[tilespmem:$0x18800] =	vst v63  }
0x30b: {  	s25 =	simm.s32 $0x7000;
	v3 =	vadd.s32 v1, v3  }
0x30c: {  	[hbm4b:s12+s2] =	stream.indirect_vreg.scatter [tilespmem:s25], [sflag:$0x3], $0x80, v4, vm0, $0xb8;
	[tilespmem:$0x18800] =	vst v63  }
0x30d: {  	s26 =	simm.s32 $0x7800  }
0x30e: {  	[hbm4b:s13+s2] =	stream.indirect_vreg.scatter [tilespmem:s26], [sflag:$0x3], $0x80, v4, vm0, $0xb8;
	[tilespmem:$0x18800] =	vst v63  }
0x30f: {  	s28 =	simm.s32 $0x8000  }
0x310: {  	[hbm4b:s4+s2] =	stream.indirect_vreg.scatter [tilespmem:s28], [sflag:$0x3], $0x80, v3, vm0, $0xb8;
	[tilespmem:$0x18800] =	vst v63  }
0x311: {  	s30 =	simm.s32 $0x8800  }
0x312: {  	[hbm4b:s12+s2] =	stream.indirect_vreg.scatter [tilespmem:s30], [sflag:$0x3], $0x80, v3, vm0, $0xb8;
	[tilespmem:$0x18800] =	vst v63  }
0x313: {  	s6 =	simm.s32 $0x9000  }
0x314: {  	[hbm4b:s13+s2] =	stream.indirect_vreg.scatter [tilespmem:s6], [sflag:$0x3], $0x80, v3, vm0, $0xb8;
	[tilespmem:$0x18800] =	vst v63  }
0x315: {  	v3 =	vld [tilespmem:$0x630];
	_ =	sdelay $0x4  }
0x316: {  	v63 =	vshrl.u32 v3, $0x3  }
0x317: {  	v4 =	vmul.u32 $0x30, v63  }
0x318: {  	v3 =	vand.u32 $0x7, v3  }
0x319: {  	v3 =	vor.u32 v3, v4  }
0x31a: {  	v4 =	vperm.xlane v3, v0;
	_ =	sdelay $0x1  }
0x31b: {  	v4 =	vadd.s32 v1, v4;
	_ =	sdelay $0x3  }
0x31c: {  	s17 =	simm.s32 $0x9800;
	v3 =	vperm.xlane v3, v2  }
0x31d: {  	[hbm4b:s4+s2] =	stream.indirect_vreg.scatter [tilespmem:s17], [sflag:$0x3], $0x80, v4, vm0, $0xb8;
	[tilespmem:$0x18800] =	vst v63  }
0x31e: {  	s7 =	simm.s32 $0xA000;
	v3 =	vadd.s32 v1, v3  }
0x31f: {  	[hbm4b:s12+s2] =	stream.indirect_vreg.scatter [tilespmem:s7], [sflag:$0x3], $0x80, v4, vm0, $0xb8;
	[tilespmem:$0x18800] =	vst v63  }
0x320: {  	s9 =	simm.s32 $0xA800  }
0x321: {  	[hbm4b:s13+s2] =	stream.indirect_vreg.scatter [tilespmem:s9], [sflag:$0x3], $0x80, v4, vm0, $0xb8;
	[tilespmem:$0x18800] =	vst v63  }
0x322: {  	s0 =	simm.s32 $0xB000  }
0x323: {  	[hbm4b:s4+s2] =	stream.indirect_vreg.scatter [tilespmem:s0], [sflag:$0x3], $0x80, v3, vm0, $0xb8;
	[tilespmem:$0x18800] =	vst v63  }
0x324: {  	s1 =	simm.s32 $0xB800  }
0x325: {  	[hbm4b:s12+s2] =	stream.indirect_vreg.scatter [tilespmem:s1], [sflag:$0x3], $0x80, v3, vm0, $0xb8;
	[tilespmem:$0x18800] =	vst v63  }
0x326: {  	s29 =	simm.s32 $0xC000;
	s30 =	simm.s32 $0x4  }
0x327: {  	[hbm4b:s13+s2] =	stream.indirect_vreg.scatter [tilespmem:s29], [sflag:$0x3], $0x80, v3, vm0, $0xb8;
	[tilespmem:$0x18800] =	vst v63  }
0x328: {  	_ =	swait.ge [sflag:s30], $0xC000  }
0x329: {  	s31 =	rddreg [dreg:$0x6]  }
0x32a: {  	p0 =	sne.s32 s31, $0x1  }
.Ltmp0:
0x32b: {  	[sflag:s30] =	ssyncset.done $0x0;
	(pc) =	sbr.rel @p0 .LBB2_1-.Ltmp0, $4  }
0x32c: {  	s5 =	simm.s32 $0x3;
	[sflag:s30] =	ssyncadd.s32 $0xFFFF4000  }
0x32d: {  	_ =	swait.ge [sflag:s5], $0xC000  }
0x32e: {  	[sflag:s5] =	ssyncset.done $0x0  }
0x32f: {  	s1 =	sadd.s32 $0xFFFFFFFF, s31;
	[sflag:s5] =	ssyncadd.s32 $0xFFFF4000  }
0x330: {  	_ =	sfence.sel $0x180000  }
0x331: {  	[bflag:$0x0] =	sbarrier.arrive $0xFFFF  }
0x332: {  	_ =	strace $0x90000047  }
0x333: {  	s0 =	stileid.u32;
	[bflag:$0x2] =	sbarrier.arrive $0xFFFF  }
0x334: {  	p0 =	sne.s32 s0, $0x0;
	s0 =	rddreg [dreg:$0x2]  }
0x335: {  	s0 =	sadd.s32 @!p0 $0x100000, s0  }
0x336: {  	[sflag:s0] =	ssyncadd.tile.s32 @!p0 $0x1;
	_ =	shalt  }
.Lfunc_end2:
_tile_overlayer_lowered:
.L_overlay_start_2:
0x337: {  	(tag) =	ssettag $0x2  }
0x338: {  	s0 =	rddreg [dreg:$0x0];
	s2 =	stileid.u32  }
0x339: {  	s1 =	rddreg [dreg:$0x1];
	p0 =	sne.s32 s2, $0x0  }
0x33a: {  	s3 =	rddreg [dreg:$0x2];
	[bflag:$0x3] =	sbarrier.arrive $0xFFFF;
	s2 =	simm.s32 @!p0 $0x1C05  }
0x33b: {  	[timem:s3], [sflag:s2] =	dma.local @!p0 [hbm:s0], s1  }
0x33c: {  	s0 =	simm.s32 @!p0 $0x5  }
0x33d: {  	_ =	swait.ge @!p0 [sflag:s0], s1  }
0x33e: {  	s1 =	ssub.s32 @!p0 $0x0, s1;
	[sflag:s0] =	ssyncset.done @!p0 $0x0  }
0x33f: {  	[sflag:s0] =	ssyncadd.s32 @!p0 s1  }
0x340: {  	[bflag:$0x3] =	sbarrier.arrive $0xFFFF  }
0x341: {  	_ =	shalt  }

</sc_bundles>
